<compile_context>
chip_gen: v7x
topology: tpu7x:2x2x1
jax: 0.10.2.dev20260603
libtpu: 0.0.44.dev20260713+nightly
codegen_flags: <defaults>
</compile_context>

<pallas_src>
import functools

import jax
import jax.numpy as jnp
from jax import lax
from jax.experimental import pallas as pl
from jax.experimental.pallas import tpu as pltpu
from jax.experimental.pallas import tpu_sc as plsc

N = 10000
E = 320000
D = 128
NC = 2
NS = 16
NW = NC * NS
EC = E // NW
BE = 16000
NB = E // BE


def _logits_body(i_ref, enc_row_ref, wattn_ref, syn_ref,
                 out_ref, m_ref, z_ref, iout_ref, q_scr, mv_scr, acc_scr):
    b = pl.program_id(0)

    @pl.when(b == 0)
    def _init():
        enc_row = enc_row_ref[pl.ds(i_ref[0] % 8, 1), :]
        q_scr[...] = lax.dot_general(
            enc_row, wattn_ref[...], (((1,), (1,)), ((), ())),
            preferred_element_type=jnp.float32)
        mv_scr[...] = jnp.full((1, 128), -jnp.inf, jnp.float32)
        acc_scr[...] = jnp.zeros((1, 128), jnp.float32)

    bl = lax.dot_general(
        q_scr[...], syn_ref[...], (((1,), (1,)), ((), ())),
        preferred_element_type=jnp.float32)
    out_ref[...] = bl[:, None, :]
    bm = bl[:, 0:128]
    for k in range(1, BE // 128):
        bm = jnp.maximum(bm, bl[:, 128 * k:128 * (k + 1)])
    m_old = mv_scr[...]
    m_new = jnp.maximum(m_old, bm)
    es = jnp.exp(bl[:, 0:128] - m_new)
    for k in range(1, BE // 128):
        es = es + jnp.exp(bl[:, 128 * k:128 * (k + 1)] - m_new)
    acc_scr[...] = acc_scr[...] * jnp.exp(m_old - m_new) + es
    mv_scr[...] = m_new

    @pl.when(b == NB - 1)
    def _fin():
        m = jnp.max(m_new)
        z = jnp.sum(acc_scr[...] * jnp.exp(m_new - m))
        m_ref[...] = jnp.broadcast_to(m, (1, 128))
        z_ref[...] = jnp.broadcast_to(z, (1, 128))
        iout_ref[...] = jnp.broadcast_to(i_ref[0], (1, 128))


def _logits_call(i_in, enc, wattn, syn):
    return pl.pallas_call(
        _logits_body,
        grid_spec=pltpu.PrefetchScalarGridSpec(
            num_scalar_prefetch=1,
            grid=(NB,),
            in_specs=[
                pl.BlockSpec((8, D), lambda b, i_sp: (i_sp[0] // 8, 0)),
                pl.BlockSpec((D, D), lambda b, i_sp: (0, 0)),
                pl.BlockSpec((BE, D), lambda b, i_sp: (b, 0)),
            ],
            out_specs=[
                pl.BlockSpec((1, 1, BE), lambda b, i_sp: (b, 0, 0)),
                pl.BlockSpec((1, 128), lambda b, i_sp: (0, 0)),
                pl.BlockSpec((1, 128), lambda b, i_sp: (0, 0)),
                pl.BlockSpec((1, 128), lambda b, i_sp: (0, 0)),
            ],
            scratch_shapes=[
                pltpu.VMEM((1, D), jnp.float32),
                pltpu.VMEM((1, 128), jnp.float32),
                pltpu.VMEM((1, 128), jnp.float32),
            ],
        ),
        out_shape=[
            jax.ShapeDtypeStruct((NB, 1, BE), jnp.float32),
            jax.ShapeDtypeStruct((1, 128), jnp.float32),
            jax.ShapeDtypeStruct((1, 128), jnp.float32),
            jax.ShapeDtypeStruct((1, 128), jnp.int32),
        ],
    )(i_in, enc, wattn, syn)


def _scatter_body(logits_hbm, col_hbm, row_hbm, m_hbm, z_hbm, i_hbm,
                  degp_hbm, gp_hbm,
                  l_v, c_v, r_v, deg_l, g_l, m_v, z_v, i_v, sem):
    wid = lax.axis_index("s") * NC + lax.axis_index("c")
    base = wid * EC
    h1 = pltpu.async_copy(m_hbm.at[0, pl.ds(0, 16)], m_v, sem)
    h2 = pltpu.async_copy(z_hbm.at[0, pl.ds(0, 16)], z_v, sem)
    h3 = pltpu.async_copy(i_hbm.at[0, pl.ds(0, 16)], i_v, sem)
    h4 = pltpu.async_copy(logits_hbm.at[pl.ds(base, EC)], l_v, sem)
    h5 = pltpu.async_copy(col_hbm.at[pl.ds(base, EC)], c_v, sem)
    h6 = pltpu.async_copy(row_hbm.at[pl.ds(base, EC)], r_v, sem)

    @plsc.parallel_loop(0, N // 16, 1, unroll=4)
    def zbody(j):
        sl = pl.ds(j * 16, 16)
        deg_l[sl] = jnp.zeros((16,), jnp.float32)
        g_l[sl] = jnp.zeros((16,), jnp.float32)

    h1.wait()
    h2.wait()
    h3.wait()
    h4.wait()
    h5.wait()
    h6.wait()

    mvec = m_v[...]
    zivec = 1.0 / z_v[...]
    ivec = i_v[...]

    @plsc.parallel_loop(0, EC // 16, 1, unroll=4)
    def body(t):
        sl = pl.ds(t * 16, 16)
        ew = jnp.exp(l_v[sl] - mvec) * zivec
        c = c_v[sl]
        r = r_v[sl]
        plsc.addupdate_scatter(deg_l, [c], ew)
        plsc.addupdate_scatter(g_l, [r], ew, mask=c == ivec)

    ho1 = pltpu.async_copy(deg_l, degp_hbm.at[wid], sem)
    ho2 = pltpu.async_copy(g_l, gp_hbm.at[wid], sem)
    ho1.wait()
    ho2.wait()


def _scatter_call(logits, col, row, m_b, z_b, i_b):
    kfn = functools.partial(
        pl.kernel,
        out_type=[
            jax.ShapeDtypeStruct((NW, N), jnp.float32),
            jax.ShapeDtypeStruct((NW, N), jnp.float32),
        ],
        mesh=plsc.VectorSubcoreMesh(core_axis_name="c", subcore_axis_name="s"),
        compiler_params=pltpu.CompilerParams(needs_layout_passes=False),
        scratch_types=[
            pltpu.VMEM((EC,), jnp.float32),
            pltpu.VMEM((EC,), jnp.int32),
            pltpu.VMEM((EC,), jnp.int32),
            pltpu.VMEM((N,), jnp.float32),
            pltpu.VMEM((N,), jnp.float32),
            pltpu.VMEM((16,), jnp.float32),
            pltpu.VMEM((16,), jnp.float32),
            pltpu.VMEM((16,), jnp.int32),
            pltpu.SemaphoreType.DMA,
        ],
    )(_scatter_body)
    return kfn(logits, col, row, m_b, z_b, i_b)


def _final_body(i_ref, bo_ref, degp, gp, enc, wg, bg, cau, eff, wo,
                out_ref):
    deg = 1.0 + jnp.sum(degp[...], axis=0, keepdims=True)
    dis = lax.rsqrt(deg)
    a = jnp.sum(gp[...], axis=0, keepdims=True) * dis
    v = lax.dot_general(a, enc[...], (((1,), (0,)), ((), ())),
                        preferred_element_type=jnp.float32)
    lane = lax.broadcasted_iota(jnp.int32, (1, N), 1)
    onehot = (lane == i_ref[0]).astype(jnp.float32)
    dis_i = jnp.sum(onehot * dis)
    enc_i = enc[pl.ds(i_ref[0], 1), :]
    u = dis_i * v + (dis_i * dis_i) * enc_i
    outv = lax.dot_general(u, wg[...], (((1,), (1,)), ((), ())),
                           preferred_element_type=jnp.float32) + bg[...]
    w = wo[...]
    sacc = (jnp.sum(outv * w[:, 0:D]) + jnp.sum(cau[...] * w[:, D:2 * D])
            + jnp.sum(eff[...] * w[:, 2 * D:3 * D]) + bo_ref[0])
    out_ref[...] = jnp.broadcast_to(jax.nn.sigmoid(sacc), (1, 1))


def _final_call(i_in, b_out, degp, gp, enc, wg, bg, cau, eff, wo):
    return pl.pallas_call(
        _final_body,
        in_specs=[
            pl.BlockSpec(memory_space=pltpu.SMEM),
            pl.BlockSpec(memory_space=pltpu.SMEM),
            pl.BlockSpec((NW, N), lambda: (0, 0)),
            pl.BlockSpec((NW, N), lambda: (0, 0)),
            pl.BlockSpec((N, D), lambda: (0, 0)),
            pl.BlockSpec((D, D), lambda: (0, 0)),
            pl.BlockSpec((1, D), lambda: (0, 0)),
            pl.BlockSpec((1, D), lambda: (0, 0)),
            pl.BlockSpec((1, D), lambda: (0, 0)),
            pl.BlockSpec((1, 3 * D), lambda: (0, 0)),
        ],
        out_shape=jax.ShapeDtypeStruct((1, 1), jnp.float32),
    )(i_in, b_out, degp, gp, enc, wg, bg, cau, eff, wo)


def kernel(i, encoder_outputs, syn_embeddeds, cause, effect, edge_index,
           W_attn, W_gcn, b_gcn, W_out, b_out):
    i_in = jnp.asarray(i, jnp.int32).reshape(1)
    logits3, m_b, z_b, i_b = _logits_call(i_in, encoder_outputs, W_attn,
                                          syn_embeddeds)
    row = edge_index[0]
    col = edge_index[1]
    degp, gp = _scatter_call(logits3.reshape(E), col, row, m_b, z_b, i_b)
    res = _final_call(
        i_in, b_out, degp, gp, encoder_outputs, W_gcn,
        b_gcn.reshape(1, D), cause.reshape(1, D), effect.reshape(1, D),
        W_out)
    return res.reshape(1)

# --- scband reference (transcript-rebuilt; emitter-appended) ---
"""Pipeline reference for scband-classifier-45896020525551 (READ-ONLY COPY).

The authoritative reference and input builder live on the scoring server;
editing this copy changes nothing except your own understanding.
"""

import jax, jax.numpy as jnp
import numpy as np

N = 10000
E = 320000
D = 128
OUT_DIM = 1


def gcn_conv(x, edge_index, edge_weight, W, b):
    # Faithful PyG GCNConv with explicit edge_weight:
    # 1) linear transform, 2) add self-loops with weight 1,
    # 3) symmetric normalization deg^-1/2 A deg^-1/2, 4) scatter-add aggregation, 5) bias.
    n = x.shape[0]
    xl = x @ W.T
    row = edge_index[0]
    col = edge_index[1]
    loop = jnp.arange(n, dtype=edge_index.dtype)
    row2 = jnp.concatenate([row, loop])
    col2 = jnp.concatenate([col, loop])
    ew2 = jnp.concatenate([edge_weight, jnp.ones((n,), dtype=edge_weight.dtype)])
    deg = jax.ops.segment_sum(ew2, col2, num_segments=n)
    dis = jnp.where(deg > 0, deg ** -0.5, 0.0)
    norm = dis[row2] * ew2 * dis[col2]
    out = jax.ops.segment_sum(norm[:, None] * xl[row2], col2, num_segments=n)
    return out + b


def setup_inputs(seed: int = 0):
    key = jax.random.key(seed)
    ks = jax.random.split(key, 11)
    return {
        "i": 5,
        "encoder_outputs": jax.random.normal(ks[0], (N, D), dtype=jnp.float32),
        "syn_embeddeds": jax.random.normal(ks[1], (E, D), dtype=jnp.float32),
        "cause": jax.random.normal(ks[2], (D,), dtype=jnp.float32),
        "effect": jax.random.normal(ks[3], (D,), dtype=jnp.float32),
        "edge_index": jax.random.randint(ks[4], (2, E), 0, N, dtype=jnp.int32),
        "W_attn": jax.random.normal(ks[5], (D, D), dtype=jnp.float32) * 0.05,
        "W_gcn": jax.random.normal(ks[6], (D, D), dtype=jnp.float32) * 0.05,
        "b_gcn": jnp.zeros((D,), dtype=jnp.float32),
        "W_out": jax.random.normal(ks[7], (OUT_DIM, 3 * D), dtype=jnp.float32) * 0.05,
        "b_out": jnp.zeros((OUT_DIM,), dtype=jnp.float32),
    }


def reference(i, encoder_outputs, syn_embeddeds, cause, effect, edge_index, W_attn, W_gcn, b_gcn, W_out, b_out):
    # edge_weights = softmax(attn(encoder_outputs[i]) @ syn_embeddeds^T)
    q = encoder_outputs[i].reshape(1, -1) @ W_attn.T
    edge_weights = jax.nn.softmax(q @ syn_embeddeds.T, axis=1)[0]
    outputs = gcn_conv(encoder_outputs, edge_index, edge_weights, W_gcn, b_gcn)
    o = jnp.concatenate([outputs[i], cause, effect])
    return jax.nn.sigmoid(o @ W_out.T + b_out)

if __name__ == "__main__":
    import jax
    _d = setup_inputs()
    print(jax.jit(kernel)(*tuple(_d.values())))

</pallas_src>

<mosaic_0001>
#map = affine_map<(d0, d1) -> (0)>
#map1 = affine_map<(d0, d1) -> (0, 0)>
module attributes {stable_mosaic.version = 14 : i64} {
  func.func @_scatter_body(%arg0: i32, %arg1: i32, %arg2: memref<320000xf32, #tpu.memory_space<hbm>>, %arg3: memref<320000xi32, #tpu.memory_space<hbm>>, %arg4: memref<320000xi32, #tpu.memory_space<hbm>>, %arg5: memref<1x128xf32, #tpu.memory_space<hbm>>, %arg6: memref<1x128xf32, #tpu.memory_space<hbm>>, %arg7: memref<1x128xi32, #tpu.memory_space<hbm>>, %arg8: memref<32x10000xf32, #tpu.memory_space<hbm>>, %arg9: memref<32x10000xf32, #tpu.memory_space<hbm>>, %arg10: memref<10000xf32, #tpu.memory_space<vmem>>, %arg11: memref<10000xi32, #tpu.memory_space<vmem>>, %arg12: memref<10000xi32, #tpu.memory_space<vmem>>, %arg13: memref<10000xf32, #tpu.memory_space<vmem>>, %arg14: memref<10000xf32, #tpu.memory_space<vmem>>, %arg15: memref<16xf32, #tpu.memory_space<vmem>>, %arg16: memref<16xf32, #tpu.memory_space<vmem>>, %arg17: memref<16xi32, #tpu.memory_space<vmem>>, %arg18: memref<!tpu.dma_semaphore, #tpu.memory_space<semaphore_mem>>) attributes {dimension_semantics = [#tpu.dimension_semantics<core_parallel>, #tpu.dimension_semantics<subcore_parallel>], iteration_bounds = array<i64: 2, 16>, scalar_prefetch = 0 : i64, scratch_operands = 9 : i64, tpu.core_type = #tpu.core_type<sc_vector_subcore>, window_params = [{transform_indices = #map}, {transform_indices = #map}, {transform_indices = #map}, {transform_indices = #map1}, {transform_indices = #map1}, {transform_indices = #map1}, {transform_indices = #map1}, {transform_indices = #map1}]} {
    %mul3A = arith.constant 2 : i32
    %mul3A_0 = arith.muli %arg1, %mul3A : i32
    %add3A = arith.addi %mul3A_0, %arg0 : i32
    %mul3A_1 = arith.constant 10000 : i32
    %mul3A_2 = arith.muli %add3A, %mul3A_1 : i32
    %dma_start3A = arith.constant 0 : i32
    %dma_start3A_3 = arith.constant 0 : i32
    %dma_start3A_4 = tpu.memref_slice %arg5[%dma_start3A, %dma_start3A_3] : memref<1x128xf32, #tpu.memory_space<hbm>> -> memref<1x16xf32, #tpu.memory_space<hbm>>
    %dma_start3A_5 = tpu.memref_squeeze %dma_start3A_4 : memref<1x16xf32, #tpu.memory_space<hbm>> -> memref<16xf32, #tpu.memory_space<hbm>>
    %dma_start3A_6 = arith.constant 0 : i32
    %dma_start3A_7 = tpu.memref_slice %arg5[%dma_start3A, %dma_start3A_6] : memref<1x128xf32, #tpu.memory_space<hbm>> -> memref<1x16xf32, #tpu.memory_space<hbm>>
    %dma_start3A_8 = tpu.memref_squeeze %dma_start3A_7 : memref<1x16xf32, #tpu.memory_space<hbm>> -> memref<16xf32, #tpu.memory_space<hbm>>
    tpu.enqueue_dma source(%dma_start3A_8 : memref<16xf32, #tpu.memory_space<hbm>>) target(%arg15 : memref<16xf32, #tpu.memory_space<vmem>>) target_semaphore(%arg18 : memref<!tpu.dma_semaphore, #tpu.memory_space<semaphore_mem>>)
    %dma_start3A_9 = arith.constant 0 : i32
    %dma_start3A_10 = arith.constant 0 : i32
    %dma_start3A_11 = tpu.memref_slice %arg6[%dma_start3A_9, %dma_start3A_10] : memref<1x128xf32, #tpu.memory_space<hbm>> -> memref<1x16xf32, #tpu.memory_space<hbm>>
    %dma_start3A_12 = tpu.memref_squeeze %dma_start3A_11 : memref<1x16xf32, #tpu.memory_space<hbm>> -> memref<16xf32, #tpu.memory_space<hbm>>
    %dma_start3A_13 = arith.constant 0 : i32
    %dma_start3A_14 = tpu.memref_slice %arg6[%dma_start3A_9, %dma_start3A_13] : memref<1x128xf32, #tpu.memory_space<hbm>> -> memref<1x16xf32, #tpu.memory_space<hbm>>
    %dma_start3A_15 = tpu.memref_squeeze %dma_start3A_14 : memref<1x16xf32, #tpu.memory_space<hbm>> -> memref<16xf32, #tpu.memory_space<hbm>>
    tpu.enqueue_dma source(%dma_start3A_15 : memref<16xf32, #tpu.memory_space<hbm>>) target(%arg16 : memref<16xf32, #tpu.memory_space<vmem>>) target_semaphore(%arg18 : memref<!tpu.dma_semaphore, #tpu.memory_space<semaphore_mem>>)
    %dma_start3A_16 = arith.constant 0 : i32
    %dma_start3A_17 = arith.constant 0 : i32
    %dma_start3A_18 = tpu.memref_slice %arg7[%dma_start3A_16, %dma_start3A_17] : memref<1x128xi32, #tpu.memory_space<hbm>> -> memref<1x16xi32, #tpu.memory_space<hbm>>
    %dma_start3A_19 = tpu.memref_squeeze %dma_start3A_18 : memref<1x16xi32, #tpu.memory_space<hbm>> -> memref<16xi32, #tpu.memory_space<hbm>>
    %dma_start3A_20 = arith.constant 0 : i32
    %dma_start3A_21 = tpu.memref_slice %arg7[%dma_start3A_16, %dma_start3A_20] : memref<1x128xi32, #tpu.memory_space<hbm>> -> memref<1x16xi32, #tpu.memory_space<hbm>>
    %dma_start3A_22 = tpu.memref_squeeze %dma_start3A_21 : memref<1x16xi32, #tpu.memory_space<hbm>> -> memref<16xi32, #tpu.memory_space<hbm>>
    tpu.enqueue_dma source(%dma_start3A_22 : memref<16xi32, #tpu.memory_space<hbm>>) target(%arg17 : memref<16xi32, #tpu.memory_space<vmem>>) target_semaphore(%arg18 : memref<!tpu.dma_semaphore, #tpu.memory_space<semaphore_mem>>)
    %dma_start3A_23 = tpu.memref_slice %arg2[%mul3A_2] : memref<320000xf32, #tpu.memory_space<hbm>> -> memref<10000xf32, #tpu.memory_space<hbm>>
    %dma_start3A_24 = tpu.memref_slice %arg2[%mul3A_2] : memref<320000xf32, #tpu.memory_space<hbm>> -> memref<10000xf32, #tpu.memory_space<hbm>>
    tpu.enqueue_dma source(%dma_start3A_24 : memref<10000xf32, #tpu.memory_space<hbm>>) target(%arg10 : memref<10000xf32, #tpu.memory_space<vmem>>) target_semaphore(%arg18 : memref<!tpu.dma_semaphore, #tpu.memory_space<semaphore_mem>>)
    %dma_start3A_25 = tpu.memref_slice %arg3[%mul3A_2] : memref<320000xi32, #tpu.memory_space<hbm>> -> memref<10000xi32, #tpu.memory_space<hbm>>
    %dma_start3A_26 = tpu.memref_slice %arg3[%mul3A_2] : memref<320000xi32, #tpu.memory_space<hbm>> -> memref<10000xi32, #tpu.memory_space<hbm>>
    tpu.enqueue_dma source(%dma_start3A_26 : memref<10000xi32, #tpu.memory_space<hbm>>) target(%arg11 : memref<10000xi32, #tpu.memory_space<vmem>>) target_semaphore(%arg18 : memref<!tpu.dma_semaphore, #tpu.memory_space<semaphore_mem>>)
    %dma_start3A_27 = tpu.memref_slice %arg4[%mul3A_2] : memref<320000xi32, #tpu.memory_space<hbm>> -> memref<10000xi32, #tpu.memory_space<hbm>>
    %dma_start3A_28 = tpu.memref_slice %arg4[%mul3A_2] : memref<320000xi32, #tpu.memory_space<hbm>> -> memref<10000xi32, #tpu.memory_space<hbm>>
    tpu.enqueue_dma source(%dma_start3A_28 : memref<10000xi32, #tpu.memory_space<hbm>>) target(%arg12 : memref<10000xi32, #tpu.memory_space<vmem>>) target_semaphore(%arg18 : memref<!tpu.dma_semaphore, #tpu.memory_space<semaphore_mem>>)
    %parallel_loop3A = arith.constant 0 : i32
    %parallel_loop3A_29 = arith.constant 625 : i32
    %parallel_loop3A_30 = arith.constant 1 : i32
    scf.for %parallel_loop3A_91 = %parallel_loop3A to %parallel_loop3A_29 step %parallel_loop3A_30  : i32 {
      %parallel_loop3A_92 = arith.constant 16 : i32
      %parallel_loop3A_93 = arith.muli %parallel_loop3A_91, %parallel_loop3A_92 : i32
      %parallel_loop3A_94 = arith.constant 0.000000e+00 : f32
      %parallel_loop3A_95 = vector.broadcast %parallel_loop3A_94 : f32 to vector<16xf32>
      %parallel_loop3A_96 = arith.index_cast %parallel_loop3A_93 : i32 to index
      %parallel_loop3A_97 = tpu.vector_load %arg13[%parallel_loop3A_96] {strides = array<i32>} : memref<10000xf32, #tpu.memory_space<vmem>>, vector<16xf32>,
      tpu.vector_store %arg13[%parallel_loop3A_96], %parallel_loop3A_95 {strides = array<i32>} : memref<10000xf32, #tpu.memory_space<vmem>>, vector<16xf32>,
      %parallel_loop3A_98 = arith.constant 0.000000e+00 : f32
      %parallel_loop3A_99 = vector.broadcast %parallel_loop3A_98 : f32 to vector<16xf32>
      %parallel_loop3A_100 = arith.index_cast %parallel_loop3A_93 : i32 to index
      %parallel_loop3A_101 = tpu.vector_load %arg14[%parallel_loop3A_100] {strides = array<i32>} : memref<10000xf32, #tpu.memory_space<vmem>>, vector<16xf32>,
      tpu.vector_store %arg14[%parallel_loop3A_100], %parallel_loop3A_99 {strides = array<i32>} : memref<10000xf32, #tpu.memory_space<vmem>>, vector<16xf32>,
    } {sc.loop_unroll_factor = 4 : i64, sc.parallel_access}
    %dma_wait3A = arith.constant 0 : i32
    %dma_wait3A_31 = arith.constant 0 : i32
    %dma_wait3A_32 = tpu.memref_slice %arg5[%dma_wait3A, %dma_wait3A_31] : memref<1x128xf32, #tpu.memory_space<hbm>> -> memref<1x16xf32, #tpu.memory_space<hbm>>
    %dma_wait3A_33 = tpu.memref_squeeze %dma_wait3A_32 : memref<1x16xf32, #tpu.memory_space<hbm>> -> memref<16xf32, #tpu.memory_space<hbm>>
    %dma_wait3A_34 = arith.constant 0 : i32
    %dma_wait3A_35 = tpu.memref_slice %arg5[%dma_wait3A, %dma_wait3A_34] : memref<1x128xf32, #tpu.memory_space<hbm>> -> memref<1x16xf32, #tpu.memory_space<hbm>>
    %dma_wait3A_36 = tpu.memref_squeeze %dma_wait3A_35 : memref<1x16xf32, #tpu.memory_space<hbm>> -> memref<16xf32, #tpu.memory_space<hbm>>
    tpu.wait_dma2 semaphore(%arg18 : memref<!tpu.dma_semaphore, #tpu.memory_space<semaphore_mem>>) src(%dma_wait3A_36 : memref<16xf32, #tpu.memory_space<hbm>>) dst(%arg15 : memref<16xf32, #tpu.memory_space<vmem>>)
    %dma_wait3A_37 = arith.constant 0 : i32
    %dma_wait3A_38 = arith.constant 0 : i32
    %dma_wait3A_39 = tpu.memref_slice %arg6[%dma_wait3A_37, %dma_wait3A_38] : memref<1x128xf32, #tpu.memory_space<hbm>> -> memref<1x16xf32, #tpu.memory_space<hbm>>
    %dma_wait3A_40 = tpu.memref_squeeze %dma_wait3A_39 : memref<1x16xf32, #tpu.memory_space<hbm>> -> memref<16xf32, #tpu.memory_space<hbm>>
    %dma_wait3A_41 = arith.constant 0 : i32
    %dma_wait3A_42 = tpu.memref_slice %arg6[%dma_wait3A_37, %dma_wait3A_41] : memref<1x128xf32, #tpu.memory_space<hbm>> -> memref<1x16xf32, #tpu.memory_space<hbm>>
    %dma_wait3A_43 = tpu.memref_squeeze %dma_wait3A_42 : memref<1x16xf32, #tpu.memory_space<hbm>> -> memref<16xf32, #tpu.memory_space<hbm>>
    tpu.wait_dma2 semaphore(%arg18 : memref<!tpu.dma_semaphore, #tpu.memory_space<semaphore_mem>>) src(%dma_wait3A_43 : memref<16xf32, #tpu.memory_space<hbm>>) dst(%arg16 : memref<16xf32, #tpu.memory_space<vmem>>)
    %dma_wait3A_44 = arith.constant 0 : i32
    %dma_wait3A_45 = arith.constant 0 : i32
    %dma_wait3A_46 = tpu.memref_slice %arg7[%dma_wait3A_44, %dma_wait3A_45] : memref<1x128xi32, #tpu.memory_space<hbm>> -> memref<1x16xi32, #tpu.memory_space<hbm>>
    %dma_wait3A_47 = tpu.memref_squeeze %dma_wait3A_46 : memref<1x16xi32, #tpu.memory_space<hbm>> -> memref<16xi32, #tpu.memory_space<hbm>>
    %dma_wait3A_48 = arith.constant 0 : i32
    %dma_wait3A_49 = tpu.memref_slice %arg7[%dma_wait3A_44, %dma_wait3A_48] : memref<1x128xi32, #tpu.memory_space<hbm>> -> memref<1x16xi32, #tpu.memory_space<hbm>>
    %dma_wait3A_50 = tpu.memref_squeeze %dma_wait3A_49 : memref<1x16xi32, #tpu.memory_space<hbm>> -> memref<16xi32, #tpu.memory_space<hbm>>
    tpu.wait_dma2 semaphore(%arg18 : memref<!tpu.dma_semaphore, #tpu.memory_space<semaphore_mem>>) src(%dma_wait3A_50 : memref<16xi32, #tpu.memory_space<hbm>>) dst(%arg17 : memref<16xi32, #tpu.memory_space<vmem>>)
    %dma_wait3A_51 = tpu.memref_slice %arg2[%mul3A_2] : memref<320000xf32, #tpu.memory_space<hbm>> -> memref<10000xf32, #tpu.memory_space<hbm>>
    %dma_wait3A_52 = tpu.memref_slice %arg2[%mul3A_2] : memref<320000xf32, #tpu.memory_space<hbm>> -> memref<10000xf32, #tpu.memory_space<hbm>>
    tpu.wait_dma2 semaphore(%arg18 : memref<!tpu.dma_semaphore, #tpu.memory_space<semaphore_mem>>) src(%dma_wait3A_52 : memref<10000xf32, #tpu.memory_space<hbm>>) dst(%arg10 : memref<10000xf32, #tpu.memory_space<vmem>>)
    %dma_wait3A_53 = tpu.memref_slice %arg3[%mul3A_2] : memref<320000xi32, #tpu.memory_space<hbm>> -> memref<10000xi32, #tpu.memory_space<hbm>>
    %dma_wait3A_54 = tpu.memref_slice %arg3[%mul3A_2] : memref<320000xi32, #tpu.memory_space<hbm>> -> memref<10000xi32, #tpu.memory_space<hbm>>
    tpu.wait_dma2 semaphore(%arg18 : memref<!tpu.dma_semaphore, #tpu.memory_space<semaphore_mem>>) src(%dma_wait3A_54 : memref<10000xi32, #tpu.memory_space<hbm>>) dst(%arg11 : memref<10000xi32, #tpu.memory_space<vmem>>)
    %dma_wait3A_55 = tpu.memref_slice %arg4[%mul3A_2] : memref<320000xi32, #tpu.memory_space<hbm>> -> memref<10000xi32, #tpu.memory_space<hbm>>
    %dma_wait3A_56 = tpu.memref_slice %arg4[%mul3A_2] : memref<320000xi32, #tpu.memory_space<hbm>> -> memref<10000xi32, #tpu.memory_space<hbm>>
    tpu.wait_dma2 semaphore(%arg18 : memref<!tpu.dma_semaphore, #tpu.memory_space<semaphore_mem>>) src(%dma_wait3A_56 : memref<10000xi32, #tpu.memory_space<hbm>>) dst(%arg12 : memref<10000xi32, #tpu.memory_space<vmem>>)
    %get3A = arith.constant 0 : index
    %get3A_57 = tpu.vector_load %arg15[%get3A] {strides = array<i32>} : memref<16xf32, #tpu.memory_space<vmem>>, vector<16xf32>,
    %get3A_58 = arith.constant 0 : index
    %get3A_59 = tpu.vector_load %arg16[%get3A_58] {strides = array<i32>} : memref<16xf32, #tpu.memory_space<vmem>>, vector<16xf32>,
    %div3A = arith.constant 1.000000e+00 : f32
    %div3A_60 = vector.broadcast %div3A : f32 to vector<16xf32>
    %div3A_61 = arith.divf %div3A_60, %get3A_59 : vector<16xf32>
    %get3A_62 = arith.constant 0 : index
    %get3A_63 = tpu.vector_load %arg17[%get3A_62] {strides = array<i32>} : memref<16xi32, #tpu.memory_space<vmem>>, vector<16xi32>,
    %parallel_loop3A_64 = arith.constant 0 : i32
    %parallel_loop3A_65 = arith.constant 625 : i32
    %parallel_loop3A_66 = arith.constant 1 : i32
    scf.for %parallel_loop3A_91 = %parallel_loop3A_64 to %parallel_loop3A_65 step %parallel_loop3A_66  : i32 {
      %parallel_loop3A_92 = arith.constant 16 : i32
      %parallel_loop3A_93 = arith.muli %parallel_loop3A_91, %parallel_loop3A_92 : i32
      %parallel_loop3A_94 = arith.index_cast %parallel_loop3A_93 : i32 to index
      %parallel_loop3A_95 = tpu.vector_load %arg10[%parallel_loop3A_94] {strides = array<i32>} : memref<10000xf32, #tpu.memory_space<vmem>>, vector<16xf32>,
      %parallel_loop3A_96 = arith.subf %parallel_loop3A_95, %get3A_57 : vector<16xf32>
      %parallel_loop3A_97 = math.exp %parallel_loop3A_96 : vector<16xf32>
      %parallel_loop3A_98 = arith.mulf %parallel_loop3A_97, %div3A_61 : vector<16xf32>
      %parallel_loop3A_99 = arith.index_cast %parallel_loop3A_93 : i32 to index
      %parallel_loop3A_100 = tpu.vector_load %arg11[%parallel_loop3A_99] {strides = array<i32>} : memref<10000xi32, #tpu.memory_space<vmem>>, vector<16xi32>,
      %parallel_loop3A_101 = arith.index_cast %parallel_loop3A_93 : i32 to index
      %parallel_loop3A_102 = tpu.vector_load %arg12[%parallel_loop3A_101] {strides = array<i32>} : memref<10000xi32, #tpu.memory_space<vmem>>, vector<16xi32>,
      tpu.vector_store_idx %arg13[%parallel_loop3A_100], %parallel_loop3A_98 {add = true} : memref<10000xf32, #tpu.memory_space<vmem>>[vector<16xi32>], vector<16xf32>,
      %parallel_loop3A_103 = arith.cmpi eq, %parallel_loop3A_100, %get3A_63 : vector<16xi32>
      tpu.vector_store_idx %arg14[%parallel_loop3A_102], %parallel_loop3A_98 masked %parallel_loop3A_103 {add = true} : memref<10000xf32, #tpu.memory_space<vmem>>[vector<16xi32>], vector<16xf32>, vector<16xi1>
    } {sc.loop_unroll_factor = 4 : i64, sc.parallel_access}
    %dma_start3A_67 = arith.constant 0 : i32
    %dma_start3A_68 = tpu.memref_slice %arg8[%add3A, %dma_start3A_67] : memref<32x10000xf32, #tpu.memory_space<hbm>> -> memref<1x10000xf32, #tpu.memory_space<hbm>>
    %dma_start3A_69 = tpu.memref_squeeze %dma_start3A_68 : memref<1x10000xf32, #tpu.memory_space<hbm>> -> memref<10000xf32, #tpu.memory_space<hbm>>
    %dma_start3A_70 = arith.constant 0 : i32
    %dma_start3A_71 = tpu.memref_slice %arg8[%add3A, %dma_start3A_70] : memref<32x10000xf32, #tpu.memory_space<hbm>> -> memref<1x10000xf32, #tpu.memory_space<hbm>>
    %dma_start3A_72 = tpu.memref_squeeze %dma_start3A_71 : memref<1x10000xf32, #tpu.memory_space<hbm>> -> memref<10000xf32, #tpu.memory_space<hbm>>
    tpu.enqueue_dma source(%arg13 : memref<10000xf32, #tpu.memory_space<vmem>>) target(%dma_start3A_72 : memref<10000xf32, #tpu.memory_space<hbm>>) target_semaphore(%arg18 : memref<!tpu.dma_semaphore, #tpu.memory_space<semaphore_mem>>)
    %dma_start3A_73 = arith.constant 0 : i32
    %dma_start3A_74 = tpu.memref_slice %arg9[%add3A, %dma_start3A_73] : memref<32x10000xf32, #tpu.memory_space<hbm>> -> memref<1x10000xf32, #tpu.memory_space<hbm>>
    %dma_start3A_75 = tpu.memref_squeeze %dma_start3A_74 : memref<1x10000xf32, #tpu.memory_space<hbm>> -> memref<10000xf32, #tpu.memory_space<hbm>>
    %dma_start3A_76 = arith.constant 0 : i32
    %dma_start3A_77 = tpu.memref_slice %arg9[%add3A, %dma_start3A_76] : memref<32x10000xf32, #tpu.memory_space<hbm>> -> memref<1x10000xf32, #tpu.memory_space<hbm>>
    %dma_start3A_78 = tpu.memref_squeeze %dma_start3A_77 : memref<1x10000xf32, #tpu.memory_space<hbm>> -> memref<10000xf32, #tpu.memory_space<hbm>>
    tpu.enqueue_dma source(%arg14 : memref<10000xf32, #tpu.memory_space<vmem>>) target(%dma_start3A_78 : memref<10000xf32, #tpu.memory_space<hbm>>) target_semaphore(%arg18 : memref<!tpu.dma_semaphore, #tpu.memory_space<semaphore_mem>>)
    %dma_wait3A_79 = arith.constant 0 : i32
    %dma_wait3A_80 = tpu.memref_slice %arg8[%add3A, %dma_wait3A_79] : memref<32x10000xf32, #tpu.memory_space<hbm>> -> memref<1x10000xf32, #tpu.memory_space<hbm>>
    %dma_wait3A_81 = tpu.memref_squeeze %dma_wait3A_80 : memref<1x10000xf32, #tpu.memory_space<hbm>> -> memref<10000xf32, #tpu.memory_space<hbm>>
    %dma_wait3A_82 = arith.constant 0 : i32
    %dma_wait3A_83 = tpu.memref_slice %arg8[%add3A, %dma_wait3A_82] : memref<32x10000xf32, #tpu.memory_space<hbm>> -> memref<1x10000xf32, #tpu.memory_space<hbm>>
    %dma_wait3A_84 = tpu.memref_squeeze %dma_wait3A_83 : memref<1x10000xf32, #tpu.memory_space<hbm>> -> memref<10000xf32, #tpu.memory_space<hbm>>
    tpu.wait_dma2 semaphore(%arg18 : memref<!tpu.dma_semaphore, #tpu.memory_space<semaphore_mem>>) src(%arg13 : memref<10000xf32, #tpu.memory_space<vmem>>) dst(%dma_wait3A_84 : memref<10000xf32, #tpu.memory_space<hbm>>)
    %dma_wait3A_85 = arith.constant 0 : i32
    %dma_wait3A_86 = tpu.memref_slice %arg9[%add3A, %dma_wait3A_85] : memref<32x10000xf32, #tpu.memory_space<hbm>> -> memref<1x10000xf32, #tpu.memory_space<hbm>>
    %dma_wait3A_87 = tpu.memref_squeeze %dma_wait3A_86 : memref<1x10000xf32, #tpu.memory_space<hbm>> -> memref<10000xf32, #tpu.memory_space<hbm>>
    %dma_wait3A_88 = arith.constant 0 : i32
    %dma_wait3A_89 = tpu.memref_slice %arg9[%add3A, %dma_wait3A_88] : memref<32x10000xf32, #tpu.memory_space<hbm>> -> memref<1x10000xf32, #tpu.memory_space<hbm>>
    %dma_wait3A_90 = tpu.memref_squeeze %dma_wait3A_89 : memref<1x10000xf32, #tpu.memory_space<hbm>> -> memref<10000xf32, #tpu.memory_space<hbm>>
    tpu.wait_dma2 semaphore(%arg18 : memref<!tpu.dma_semaphore, #tpu.memory_space<semaphore_mem>>) src(%arg14 : memref<10000xf32, #tpu.memory_space<vmem>>) dst(%dma_wait3A_90 : memref<10000xf32, #tpu.memory_space<hbm>>)
    return
  }
}

module attributes {stable_mosaic.version = 14 : i64} {
  func.func @_logits_body(%arg0: i32, %arg1: memref<1xi32, #tpu.memory_space<smem>>, %arg2: memref<8x128xf32, #tpu.memory_space<vmem>>, %arg3: memref<128x128xf32, #tpu.memory_space<vmem>>, %arg4: memref<16000x128xf32, #tpu.memory_space<vmem>>, %arg5: memref<1x1x16000xf32, #tpu.memory_space<vmem>>, %arg6: memref<1x128xf32, #tpu.memory_space<vmem>>, %arg7: memref<1x128xf32, #tpu.memory_space<vmem>>, %arg8: memref<1x128xi32, #tpu.memory_space<vmem>>, %arg9: memref<1x128xf32, #tpu.memory_space<vmem>>, %arg10: memref<1x128xf32, #tpu.memory_space<vmem>>, %arg11: memref<1x128xf32, #tpu.memory_space<vmem>>) attributes {dimension_semantics = [#tpu.dimension_semantics<arbitrary>], iteration_bounds = array<i64: 20>, scalar_prefetch = 1 : i64, scratch_operands = 3 : i64, tpu.core_type = #tpu.core_type<tc>, window_params = [{transform_indices = @transform_0, window_bounds = array<i64: 8, 128>}, {pipeline_mode = #tpu.pipeline_mode<synchronous>, transform_indices = @transform_1, window_bounds = array<i64: 128, 128>}, {transform_indices = @transform_2, window_bounds = array<i64: 16000, 128>}, {transform_indices = @transform_3, window_bounds = array<i64: 1, 1, 16000>}, {pipeline_mode = #tpu.pipeline_mode<synchronous>, transform_indices = @transform_4, window_bounds = array<i64: 1, 128>}, {pipeline_mode = #tpu.pipeline_mode<synchronous>, transform_indices = @transform_5, window_bounds = array<i64: 1, 128>}, {pipeline_mode = #tpu.pipeline_mode<synchronous>, transform_indices = @transform_6, window_bounds = array<i64: 1, 128>}]} {
    %eq3A = arith.constant 0 : i32
    %eq3A_0 = arith.cmpi eq, %arg0, %eq3A : i32
    %convert_element_type3A = arith.extui %eq3A_0 : i1 to i32
    %cond3A = arith.constant 0 : i32
    %cond3A_1 = arith.cmpi ne, %convert_element_type3A, %cond3A : i32
    scf.if %cond3A_1 {
      %get3A_775 = arith.constant 0 : index
      %get3A_776 = memref.load %arg1[%get3A_775] : memref<1xi32, #tpu.memory_space<smem>>
      %jit3A = arith.constant 8 : i32
      %eq3A_777 = arith.constant 0 : i32
      %eq3A_778 = arith.cmpi eq, %jit3A, %eq3A_777 : i32
      %jit3A_779 = arith.constant 1 : i32
      %select_n3A = arith.select %eq3A_778, %jit3A_779, %jit3A : i32
      %rem3A = arith.remsi %get3A_776, %select_n3A : i32
      %ne3A = arith.constant 0 : i32
      %ne3A_780 = arith.cmpi ne, %rem3A, %ne3A : i32
      %lt3A = arith.constant 0 : i32
      %lt3A_781 = arith.cmpi slt, %rem3A, %lt3A : i32
      %lt3A_782 = arith.constant 0 : i32
      %lt3A_783 = arith.cmpi slt, %select_n3A, %lt3A_782 : i32
      %ne3A_784 = arith.xori %lt3A_781, %lt3A_783 : i1
      %and3A = arith.andi %ne3A_784, %ne3A_780 : i1
      %add3A_785 = arith.addi %rem3A, %select_n3A : i32
      %select_n3A_786 = arith.select %and3A, %add3A_785, %rem3A : i32
      %get3A_787 = arith.index_cast %select_n3A_786 : i32 to index
      %get3A_788 = arith.constant 0 : index
      %get3A_789 = vector.load %arg2[%get3A_787, %get3A_788] : memref<8x128xf32, #tpu.memory_space<vmem>>, vector<1x128xf32>
      %get3A_790 = arith.constant 0 : index
      %get3A_791 = arith.constant 0 : index
      %get3A_792 = vector.load %arg3[%get3A_790, %get3A_791] : memref<128x128xf32, #tpu.memory_space<vmem>>, vector<128x128xf32>
      %dot_general3A_793 = arith.constant dense<0.000000e+00> : vector<1x128xf32>
      %dot_general3A_794 = tpu.matmul %get3A_789, %get3A_792, %dot_general3A_793 {dimension_numbers = #tpu.dot_dimension_numbers<[1], [1], [0], [0], [0, 0, 1, 0], [], []>, transpose_lhs_hint = false} : vector<1x128xf32>, vector<128x128xf32>, vector<1x128xf32> -> vector<1x128xf32>
      %swap3A_795 = arith.constant 0 : index
      %swap3A_796 = arith.constant 0 : index
      %swap3A_797 = vector.load %arg9[%swap3A_795, %swap3A_796] : memref<1x128xf32, #tpu.memory_space<vmem>>, vector<1x128xf32>
      tpu.vector_store %arg9[%swap3A_795, %swap3A_796], %dot_general3A_794 {strides = array<i32>} : memref<1x128xf32, #tpu.memory_space<vmem>>, vector<1x128xf32>,
      %broadcast_in_dim3A_798 = arith.constant 0xFF800000 : f32
      %broadcast_in_dim3A_799 = vector.broadcast %broadcast_in_dim3A_798 : f32 to vector<1x128xf32>
      %swap3A_800 = arith.constant 0 : index
      %swap3A_801 = arith.constant 0 : index
      %swap3A_802 = vector.load %arg10[%swap3A_800, %swap3A_801] : memref<1x128xf32, #tpu.memory_space<vmem>>, vector<1x128xf32>
      tpu.vector_store %arg10[%swap3A_800, %swap3A_801], %broadcast_in_dim3A_799 {strides = array<i32>} : memref<1x128xf32, #tpu.memory_space<vmem>>, vector<1x128xf32>,
      %broadcast_in_dim3A_803 = arith.constant 0.000000e+00 : f32
      %broadcast_in_dim3A_804 = vector.broadcast %broadcast_in_dim3A_803 : f32 to vector<1x128xf32>
      %swap3A_805 = arith.constant 0 : index
      %swap3A_806 = arith.constant 0 : index
      %swap3A_807 = vector.load %arg11[%swap3A_805, %swap3A_806] : memref<1x128xf32, #tpu.memory_space<vmem>>, vector<1x128xf32>
      tpu.vector_store %arg11[%swap3A_805, %swap3A_806], %broadcast_in_dim3A_804 {strides = array<i32>} : memref<1x128xf32, #tpu.memory_space<vmem>>, vector<1x128xf32>,
    } else {
    }
    %get3A = arith.constant 0 : index
    %get3A_2 = arith.constant 0 : index
    %get3A_3 = vector.load %arg9[%get3A, %get3A_2] : memref<1x128xf32, #tpu.memory_space<vmem>>, vector<1x128xf32>
    %get3A_4 = arith.constant 0 : index
    %get3A_5 = arith.constant 0 : index
    %get3A_6 = vector.load %arg4[%get3A_4, %get3A_5] : memref<16000x128xf32, #tpu.memory_space<vmem>>, vector<16000x128xf32>
    %dot_general3A = arith.constant dense<0.000000e+00> : vector<1x16000xf32>
    %dot_general3A_7 = tpu.matmul %get3A_3, %get3A_6, %dot_general3A {dimension_numbers = #tpu.dot_dimension_numbers<[1], [1], [0], [0], [0, 0, 1, 0], [], []>, transpose_lhs_hint = false} : vector<1x128xf32>, vector<16000x128xf32>, vector<1x16000xf32> -> vector<1x16000xf32>
    %broadcast_in_dim3A = vector.shape_cast %dot_general3A_7 : vector<1x16000xf32> to vector<1x1x16000xf32>
    %swap3A = arith.constant 0 : index
    %swap3A_8 = arith.constant 0 : index
    %swap3A_9 = arith.constant 0 : index
    %swap3A_10 = vector.load %arg5[%swap3A, %swap3A_8, %swap3A_9] : memref<1x1x16000xf32, #tpu.memory_space<vmem>>, vector<1x1x16000xf32>
    tpu.vector_store %arg5[%swap3A, %swap3A_8, %swap3A_9], %broadcast_in_dim3A {strides = array<i32>} : memref<1x1x16000xf32, #tpu.memory_space<vmem>>, vector<1x1x16000xf32>,
    %slice3A = vector.extract_strided_slice %dot_general3A_7 {offsets = [0, 0], sizes = [1, 128], strides = [1, 1]} : vector<1x16000xf32> to vector<1x128xf32>
    %slice3A_11 = vector.extract_strided_slice %dot_general3A_7 {offsets = [0, 128], sizes = [1, 128], strides = [1, 1]} : vector<1x16000xf32> to vector<1x128xf32>
    %max3A = arith.maximumf %slice3A, %slice3A_11 : vector<1x128xf32>
    %slice3A_12 = vector.extract_strided_slice %dot_general3A_7 {offsets = [0, 256], sizes = [1, 128], strides = [1, 1]} : vector<1x16000xf32> to vector<1x128xf32>
    %max3A_13 = arith.maximumf %max3A, %slice3A_12 : vector<1x128xf32>
    %slice3A_14 = vector.extract_strided_slice %dot_general3A_7 {offsets = [0, 384], sizes = [1, 128], strides = [1, 1]} : vector<1x16000xf32> to vector<1x128xf32>
    %max3A_15 = arith.maximumf %max3A_13, %slice3A_14 : vector<1x128xf32>
    %slice3A_16 = vector.extract_strided_slice %dot_general3A_7 {offsets = [0, 512], sizes = [1, 128], strides = [1, 1]} : vector<1x16000xf32> to vector<1x128xf32>
    %max3A_17 = arith.maximumf %max3A_15, %slice3A_16 : vector<1x128xf32>
    %slice3A_18 = vector.extract_strided_slice %dot_general3A_7 {offsets = [0, 640], sizes = [1, 128], strides = [1, 1]} : vector<1x16000xf32> to vector<1x128xf32>
    %max3A_19 = arith.maximumf %max3A_17, %slice3A_18 : vector<1x128xf32>
    %slice3A_20 = vector.extract_strided_slice %dot_general3A_7 {offsets = [0, 768], sizes = [1, 128], strides = [1, 1]} : vector<1x16000xf32> to vector<1x128xf32>
    %max3A_21 = arith.maximumf %max3A_19, %slice3A_20 : vector<1x128xf32>
    %slice3A_22 = vector.extract_strided_slice %dot_general3A_7 {offsets = [0, 896], sizes = [1, 128], strides = [1, 1]} : vector<1x16000xf32> to vector<1x128xf32>
    %max3A_23 = arith.maximumf %max3A_21, %slice3A_22 : vector<1x128xf32>
    %slice3A_24 = vector.extract_strided_slice %dot_general3A_7 {offsets = [0, 1024], sizes = [1, 128], strides = [1, 1]} : vector<1x16000xf32> to vector<1x128xf32>
    %max3A_25 = arith.maximumf %max3A_23, %slice3A_24 : vector<1x128xf32>
    %slice3A_26 = vector.extract_strided_slice %dot_general3A_7 {offsets = [0, 1152], sizes = [1, 128], strides = [1, 1]} : vector<1x16000xf32> to vector<1x128xf32>
    %max3A_27 = arith.maximumf %max3A_25, %slice3A_26 : vector<1x128xf32>
    %slice3A_28 = vector.extract_strided_slice %dot_general3A_7 {offsets = [0, 1280], sizes = [1, 128], strides = [1, 1]} : vector<1x16000xf32> to vector<1x128xf32>
    %max3A_29 = arith.maximumf %max3A_27, %slice3A_28 : vector<1x128xf32>
    %slice3A_30 = vector.extract_strided_slice %dot_general3A_7 {offsets = [0, 1408], sizes = [1, 128], strides = [1, 1]} : vector<1x16000xf32> to vector<1x128xf32>
    %max3A_31 = arith.maximumf %max3A_29, %slice3A_30 : vector<1x128xf32>
    %slice3A_32 = vector.extract_strided_slice %dot_general3A_7 {offsets = [0, 1536], sizes = [1, 128], strides = [1, 1]} : vector<1x16000xf32> to vector<1x128xf32>
    %max3A_33 = arith.maximumf %max3A_31, %slice3A_32 : vector<1x128xf32>
    %slice3A_34 = vector.extract_strided_slice %dot_general3A_7 {offsets = [0, 1664], sizes = [1, 128], strides = [1, 1]} : vector<1x16000xf32> to vector<1x128xf32>
    %max3A_35 = arith.maximumf %max3A_33, %slice3A_34 : vector<1x128xf32>
    %slice3A_36 = vector.extract_strided_slice %dot_general3A_7 {offsets = [0, 1792], sizes = [1, 128], strides = [1, 1]} : vector<1x16000xf32> to vector<1x128xf32>
    %max3A_37 = arith.maximumf %max3A_35, %slice3A_36 : vector<1x128xf32>
    %slice3A_38 = vector.extract_strided_slice %dot_general3A_7 {offsets = [0, 1920], sizes = [1, 128], strides = [1, 1]} : vector<1x16000xf32> to vector<1x128xf32>
    %max3A_39 = arith.maximumf %max3A_37, %slice3A_38 : vector<1x128xf32>
    %slice3A_40 = vector.extract_strided_slice %dot_general3A_7 {offsets = [0, 2048], sizes = [1, 128], strides = [1, 1]} : vector<1x16000xf32> to vector<1x128xf32>
    %max3A_41 = arith.maximumf %max3A_39, %slice3A_40 : vector<1x128xf32>
    %slice3A_42 = vector.extract_strided_slice %dot_general3A_7 {offsets = [0, 2176], sizes = [1, 128], strides = [1, 1]} : vector<1x16000xf32> to vector<1x128xf32>
    %max3A_43 = arith.maximumf %max3A_41, %slice3A_42 : vector<1x128xf32>
    %slice3A_44 = vector.extract_strided_slice %dot_general3A_7 {offsets = [0, 2304], sizes = [1, 128], strides = [1, 1]} : vector<1x16000xf32> to vector<1x128xf32>
    %max3A_45 = arith.maximumf %max3A_43, %slice3A_44 : vector<1x128xf32>
    %slice3A_46 = vector.extract_strided_slice %dot_general3A_7 {offsets = [0, 2432], sizes = [1, 128], strides = [1, 1]} : vector<1x16000xf32> to vector<1x128xf32>
    %max3A_47 = arith.maximumf %max3A_45, %slice3A_46 : vector<1x128xf32>
    %slice3A_48 = vector.extract_strided_slice %dot_general3A_7 {offsets = [0, 2560], sizes = [1, 128], strides = [1, 1]} : vector<1x16000xf32> to vector<1x128xf32>
    %max3A_49 = arith.maximumf %max3A_47, %slice3A_48 : vector<1x128xf32>
    %slice3A_50 = vector.extract_strided_slice %dot_general3A_7 {offsets = [0, 2688], sizes = [1, 128], strides = [1, 1]} : vector<1x16000xf32> to vector<1x128xf32>
    %max3A_51 = arith.maximumf %max3A_49, %slice3A_50 : vector<1x128xf32>
    %slice3A_52 = vector.extract_strided_slice %dot_general3A_7 {offsets = [0, 2816], sizes = [1, 128], strides = [1, 1]} : vector<1x16000xf32> to vector<1x128xf32>
    %max3A_53 = arith.maximumf %max3A_51, %slice3A_52 : vector<1x128xf32>
    %slice3A_54 = vector.extract_strided_slice %dot_general3A_7 {offsets = [0, 2944], sizes = [1, 128], strides = [1, 1]} : vector<1x16000xf32> to vector<1x128xf32>
    %max3A_55 = arith.maximumf %max3A_53, %slice3A_54 : vector<1x128xf32>
    %slice3A_56 = vector.extract_strided_slice %dot_general3A_7 {offsets = [0, 3072], sizes = [1, 128], strides = [1, 1]} : vector<1x16000xf32> to vector<1x128xf32>
    %max3A_57 = arith.maximumf %max3A_55, %slice3A_56 : vector<1x128xf32>
    %slice3A_58 = vector.extract_strided_slice %dot_general3A_7 {offsets = [0, 3200], sizes = [1, 128], strides = [1, 1]} : vector<1x16000xf32> to vector<1x128xf32>
    %max3A_59 = arith.maximumf %max3A_57, %slice3A_58 : vector<1x128xf32>
    %slice3A_60 = vector.extract_strided_slice %dot_general3A_7 {offsets = [0, 3328], sizes = [1, 128], strides = [1, 1]} : vector<1x16000xf32> to vector<1x128xf32>
    %max3A_61 = arith.maximumf %max3A_59, %slice3A_60 : vector<1x128xf32>
    %slice3A_62 = vector.extract_strided_slice %dot_general3A_7 {offsets = [0, 3456], sizes = [1, 128], strides = [1, 1]} : vector<1x16000xf32> to vector<1x128xf32>
    %max3A_63 = arith.maximumf %max3A_61, %slice3A_62 : vector<1x128xf32>
    %slice3A_64 = vector.extract_strided_slice %dot_general3A_7 {offsets = [0, 3584], sizes = [1, 128], strides = [1, 1]} : vector<1x16000xf32> to vector<1x128xf32>
    %max3A_65 = arith.maximumf %max3A_63, %slice3A_64 : vector<1x128xf32>
    %slice3A_66 = vector.extract_strided_slice %dot_general3A_7 {offsets = [0, 3712], sizes = [1, 128], strides = [1, 1]} : vector<1x16000xf32> to vector<1x128xf32>
    %max3A_67 = arith.maximumf %max3A_65, %slice3A_66 : vector<1x128xf32>
    %slice3A_68 = vector.extract_strided_slice %dot_general3A_7 {offsets = [0, 3840], sizes = [1, 128], strides = [1, 1]} : vector<1x16000xf32> to vector<1x128xf32>
    %max3A_69 = arith.maximumf %max3A_67, %slice3A_68 : vector<1x128xf32>
    %slice3A_70 = vector.extract_strided_slice %dot_general3A_7 {offsets = [0, 3968], sizes = [1, 128], strides = [1, 1]} : vector<1x16000xf32> to vector<1x128xf32>
    %max3A_71 = arith.maximumf %max3A_69, %slice3A_70 : vector<1x128xf32>
    %slice3A_72 = vector.extract_strided_slice %dot_general3A_7 {offsets = [0, 4096], sizes = [1, 128], strides = [1, 1]} : vector<1x16000xf32> to vector<1x128xf32>
    %max3A_73 = arith.maximumf %max3A_71, %slice3A_72 : vector<1x128xf32>
    %slice3A_74 = vector.extract_strided_slice %dot_general3A_7 {offsets = [0, 4224], sizes = [1, 128], strides = [1, 1]} : vector<1x16000xf32> to vector<1x128xf32>
    %max3A_75 = arith.maximumf %max3A_73, %slice3A_74 : vector<1x128xf32>
    %slice3A_76 = vector.extract_strided_slice %dot_general3A_7 {offsets = [0, 4352], sizes = [1, 128], strides = [1, 1]} : vector<1x16000xf32> to vector<1x128xf32>
    %max3A_77 = arith.maximumf %max3A_75, %slice3A_76 : vector<1x128xf32>
    %slice3A_78 = vector.extract_strided_slice %dot_general3A_7 {offsets = [0, 4480], sizes = [1, 128], strides = [1, 1]} : vector<1x16000xf32> to vector<1x128xf32>
    %max3A_79 = arith.maximumf %max3A_77, %slice3A_78 : vector<1x128xf32>
    %slice3A_80 = vector.extract_strided_slice %dot_general3A_7 {offsets = [0, 4608], sizes = [1, 128], strides = [1, 1]} : vector<1x16000xf32> to vector<1x128xf32>
    %max3A_81 = arith.maximumf %max3A_79, %slice3A_80 : vector<1x128xf32>
    %slice3A_82 = vector.extract_strided_slice %dot_general3A_7 {offsets = [0, 4736], sizes = [1, 128], strides = [1, 1]} : vector<1x16000xf32> to vector<1x128xf32>
    %max3A_83 = arith.maximumf %max3A_81, %slice3A_82 : vector<1x128xf32>
    %slice3A_84 = vector.extract_strided_slice %dot_general3A_7 {offsets = [0, 4864], sizes = [1, 128], strides = [1, 1]} : vector<1x16000xf32> to vector<1x128xf32>
    %max3A_85 = arith.maximumf %max3A_83, %slice3A_84 : vector<1x128xf32>
    %slice3A_86 = vector.extract_strided_slice %dot_general3A_7 {offsets = [0, 4992], sizes = [1, 128], strides = [1, 1]} : vector<1x16000xf32> to vector<1x128xf32>
    %max3A_87 = arith.maximumf %max3A_85, %slice3A_86 : vector<1x128xf32>
    %slice3A_88 = vector.extract_strided_slice %dot_general3A_7 {offsets = [0, 5120], sizes = [1, 128], strides = [1, 1]} : vector<1x16000xf32> to vector<1x128xf32>
    %max3A_89 = arith.maximumf %max3A_87, %slice3A_88 : vector<1x128xf32>
    %slice3A_90 = vector.extract_strided_slice %dot_general3A_7 {offsets = [0, 5248], sizes = [1, 128], strides = [1, 1]} : vector<1x16000xf32> to vector<1x128xf32>
    %max3A_91 = arith.maximumf %max3A_89, %slice3A_90 : vector<1x128xf32>
    %slice3A_92 = vector.extract_strided_slice %dot_general3A_7 {offsets = [0, 5376], sizes = [1, 128], strides = [1, 1]} : vector<1x16000xf32> to vector<1x128xf32>
    %max3A_93 = arith.maximumf %max3A_91, %slice3A_92 : vector<1x128xf32>
    %slice3A_94 = vector.extract_strided_slice %dot_general3A_7 {offsets = [0, 5504], sizes = [1, 128], strides = [1, 1]} : vector<1x16000xf32> to vector<1x128xf32>
    %max3A_95 = arith.maximumf %max3A_93, %slice3A_94 : vector<1x128xf32>
    %slice3A_96 = vector.extract_strided_slice %dot_general3A_7 {offsets = [0, 5632], sizes = [1, 128], strides = [1, 1]} : vector<1x16000xf32> to vector<1x128xf32>
    %max3A_97 = arith.maximumf %max3A_95, %slice3A_96 : vector<1x128xf32>
    %slice3A_98 = vector.extract_strided_slice %dot_general3A_7 {offsets = [0, 5760], sizes = [1, 128], strides = [1, 1]} : vector<1x16000xf32> to vector<1x128xf32>
    %max3A_99 = arith.maximumf %max3A_97, %slice3A_98 : vector<1x128xf32>
    %slice3A_100 = vector.extract_strided_slice %dot_general3A_7 {offsets = [0, 5888], sizes = [1, 128], strides = [1, 1]} : vector<1x16000xf32> to vector<1x128xf32>
    %max3A_101 = arith.maximumf %max3A_99, %slice3A_100 : vector<1x128xf32>
    %slice3A_102 = vector.extract_strided_slice %dot_general3A_7 {offsets = [0, 6016], sizes = [1, 128], strides = [1, 1]} : vector<1x16000xf32> to vector<1x128xf32>
    %max3A_103 = arith.maximumf %max3A_101, %slice3A_102 : vector<1x128xf32>
    %slice3A_104 = vector.extract_strided_slice %dot_general3A_7 {offsets = [0, 6144], sizes = [1, 128], strides = [1, 1]} : vector<1x16000xf32> to vector<1x128xf32>
    %max3A_105 = arith.maximumf %max3A_103, %slice3A_104 : vector<1x128xf32>
    %slice3A_106 = vector.extract_strided_slice %dot_general3A_7 {offsets = [0, 6272], sizes = [1, 128], strides = [1, 1]} : vector<1x16000xf32> to vector<1x128xf32>
    %max3A_107 = arith.maximumf %max3A_105, %slice3A_106 : vector<1x128xf32>
    %slice3A_108 = vector.extract_strided_slice %dot_general3A_7 {offsets = [0, 6400], sizes = [1, 128], strides = [1, 1]} : vector<1x16000xf32> to vector<1x128xf32>
    %max3A_109 = arith.maximumf %max3A_107, %slice3A_108 : vector<1x128xf32>
    %slice3A_110 = vector.extract_strided_slice %dot_general3A_7 {offsets = [0, 6528], sizes = [1, 128], strides = [1, 1]} : vector<1x16000xf32> to vector<1x128xf32>
    %max3A_111 = arith.maximumf %max3A_109, %slice3A_110 : vector<1x128xf32>
    %slice3A_112 = vector.extract_strided_slice %dot_general3A_7 {offsets = [0, 6656], sizes = [1, 128], strides = [1, 1]} : vector<1x16000xf32> to vector<1x128xf32>
    %max3A_113 = arith.maximumf %max3A_111, %slice3A_112 : vector<1x128xf32>
    %slice3A_114 = vector.extract_strided_slice %dot_general3A_7 {offsets = [0, 6784], sizes = [1, 128], strides = [1, 1]} : vector<1x16000xf32> to vector<1x128xf32>
    %max3A_115 = arith.maximumf %max3A_113, %slice3A_114 : vector<1x128xf32>
    %slice3A_116 = vector.extract_strided_slice %dot_general3A_7 {offsets = [0, 6912], sizes = [1, 128], strides = [1, 1]} : vector<1x16000xf32> to vector<1x128xf32>
    %max3A_117 = arith.maximumf %max3A_115, %slice3A_116 : vector<1x128xf32>
    %slice3A_118 = vector.extract_strided_slice %dot_general3A_7 {offsets = [0, 7040], sizes = [1, 128], strides = [1, 1]} : vector<1x16000xf32> to vector<1x128xf32>
    %max3A_119 = arith.maximumf %max3A_117, %slice3A_118 : vector<1x128xf32>
    %slice3A_120 = vector.extract_strided_slice %dot_general3A_7 {offsets = [0, 7168], sizes = [1, 128], strides = [1, 1]} : vector<1x16000xf32> to vector<1x128xf32>
    %max3A_121 = arith.maximumf %max3A_119, %slice3A_120 : vector<1x128xf32>
    %slice3A_122 = vector.extract_strided_slice %dot_general3A_7 {offsets = [0, 7296], sizes = [1, 128], strides = [1, 1]} : vector<1x16000xf32> to vector<1x128xf32>
    %max3A_123 = arith.maximumf %max3A_121, %slice3A_122 : vector<1x128xf32>
    %slice3A_124 = vector.extract_strided_slice %dot_general3A_7 {offsets = [0, 7424], sizes = [1, 128], strides = [1, 1]} : vector<1x16000xf32> to vector<1x128xf32>
    %max3A_125 = arith.maximumf %max3A_123, %slice3A_124 : vector<1x128xf32>
    %slice3A_126 = vector.extract_strided_slice %dot_general3A_7 {offsets = [0, 7552], sizes = [1, 128], strides = [1, 1]} : vector<1x16000xf32> to vector<1x128xf32>
    %max3A_127 = arith.maximumf %max3A_125, %slice3A_126 : vector<1x128xf32>
    %slice3A_128 = vector.extract_strided_slice %dot_general3A_7 {offsets = [0, 7680], sizes = [1, 128], strides = [1, 1]} : vector<1x16000xf32> to vector<1x128xf32>
    %max3A_129 = arith.maximumf %max3A_127, %slice3A_128 : vector<1x128xf32>
    %slice3A_130 = vector.extract_strided_slice %dot_general3A_7 {offsets = [0, 7808], sizes = [1, 128], strides = [1, 1]} : vector<1x16000xf32> to vector<1x128xf32>
    %max3A_131 = arith.maximumf %max3A_129, %slice3A_130 : vector<1x128xf32>
    %slice3A_132 = vector.extract_strided_slice %dot_general3A_7 {offsets = [0, 7936], sizes = [1, 128], strides = [1, 1]} : vector<1x16000xf32> to vector<1x128xf32>
    %max3A_133 = arith.maximumf %max3A_131, %slice3A_132 : vector<1x128xf32>
    %slice3A_134 = vector.extract_strided_slice %dot_general3A_7 {offsets = [0, 8064], sizes = [1, 128], strides = [1, 1]} : vector<1x16000xf32> to vector<1x128xf32>
    %max3A_135 = arith.maximumf %max3A_133, %slice3A_134 : vector<1x128xf32>
    %slice3A_136 = vector.extract_strided_slice %dot_general3A_7 {offsets = [0, 8192], sizes = [1, 128], strides = [1, 1]} : vector<1x16000xf32> to vector<1x128xf32>
    %max3A_137 = arith.maximumf %max3A_135, %slice3A_136 : vector<1x128xf32>
    %slice3A_138 = vector.extract_strided_slice %dot_general3A_7 {offsets = [0, 8320], sizes = [1, 128], strides = [1, 1]} : vector<1x16000xf32> to vector<1x128xf32>
    %max3A_139 = arith.maximumf %max3A_137, %slice3A_138 : vector<1x128xf32>
    %slice3A_140 = vector.extract_strided_slice %dot_general3A_7 {offsets = [0, 8448], sizes = [1, 128], strides = [1, 1]} : vector<1x16000xf32> to vector<1x128xf32>
    %max3A_141 = arith.maximumf %max3A_139, %slice3A_140 : vector<1x128xf32>
    %slice3A_142 = vector.extract_strided_slice %dot_general3A_7 {offsets = [0, 8576], sizes = [1, 128], strides = [1, 1]} : vector<1x16000xf32> to vector<1x128xf32>
    %max3A_143 = arith.maximumf %max3A_141, %slice3A_142 : vector<1x128xf32>
    %slice3A_144 = vector.extract_strided_slice %dot_general3A_7 {offsets = [0, 8704], sizes = [1, 128], strides = [1, 1]} : vector<1x16000xf32> to vector<1x128xf32>
    %max3A_145 = arith.maximumf %max3A_143, %slice3A_144 : vector<1x128xf32>
    %slice3A_146 = vector.extract_strided_slice %dot_general3A_7 {offsets = [0, 8832], sizes = [1, 128], strides = [1, 1]} : vector<1x16000xf32> to vector<1x128xf32>
    %max3A_147 = arith.maximumf %max3A_145, %slice3A_146 : vector<1x128xf32>
    %slice3A_148 = vector.extract_strided_slice %dot_general3A_7 {offsets = [0, 8960], sizes = [1, 128], strides = [1, 1]} : vector<1x16000xf32> to vector<1x128xf32>
    %max3A_149 = arith.maximumf %max3A_147, %slice3A_148 : vector<1x128xf32>
    %slice3A_150 = vector.extract_strided_slice %dot_general3A_7 {offsets = [0, 9088], sizes = [1, 128], strides = [1, 1]} : vector<1x16000xf32> to vector<1x128xf32>
    %max3A_151 = arith.maximumf %max3A_149, %slice3A_150 : vector<1x128xf32>
    %slice3A_152 = vector.extract_strided_slice %dot_general3A_7 {offsets = [0, 9216], sizes = [1, 128], strides = [1, 1]} : vector<1x16000xf32> to vector<1x128xf32>
    %max3A_153 = arith.maximumf %max3A_151, %slice3A_152 : vector<1x128xf32>
    %slice3A_154 = vector.extract_strided_slice %dot_general3A_7 {offsets = [0, 9344], sizes = [1, 128], strides = [1, 1]} : vector<1x16000xf32> to vector<1x128xf32>
    %max3A_155 = arith.maximumf %max3A_153, %slice3A_154 : vector<1x128xf32>
    %slice3A_156 = vector.extract_strided_slice %dot_general3A_7 {offsets = [0, 9472], sizes = [1, 128], strides = [1, 1]} : vector<1x16000xf32> to vector<1x128xf32>
    %max3A_157 = arith.maximumf %max3A_155, %slice3A_156 : vector<1x128xf32>
    %slice3A_158 = vector.extract_strided_slice %dot_general3A_7 {offsets = [0, 9600], sizes = [1, 128], strides = [1, 1]} : vector<1x16000xf32> to vector<1x128xf32>
    %max3A_159 = arith.maximumf %max3A_157, %slice3A_158 : vector<1x128xf32>
    %slice3A_160 = vector.extract_strided_slice %dot_general3A_7 {offsets = [0, 9728], sizes = [1, 128], strides = [1, 1]} : vector<1x16000xf32> to vector<1x128xf32>
    %max3A_161 = arith.maximumf %max3A_159, %slice3A_160 : vector<1x128xf32>
    %slice3A_162 = vector.extract_strided_slice %dot_general3A_7 {offsets = [0, 9856], sizes = [1, 128], strides = [1, 1]} : vector<1x16000xf32> to vector<1x128xf32>
    %max3A_163 = arith.maximumf %max3A_161, %slice3A_162 : vector<1x128xf32>
    %slice3A_164 = vector.extract_strided_slice %dot_general3A_7 {offsets = [0, 9984], sizes = [1, 128], strides = [1, 1]} : vector<1x16000xf32> to vector<1x128xf32>
    %max3A_165 = arith.maximumf %max3A_163, %slice3A_164 : vector<1x128xf32>
    %slice3A_166 = vector.extract_strided_slice %dot_general3A_7 {offsets = [0, 10112], sizes = [1, 128], strides = [1, 1]} : vector<1x16000xf32> to vector<1x128xf32>
    %max3A_167 = arith.maximumf %max3A_165, %slice3A_166 : vector<1x128xf32>
    %slice3A_168 = vector.extract_strided_slice %dot_general3A_7 {offsets = [0, 10240], sizes = [1, 128], strides = [1, 1]} : vector<1x16000xf32> to vector<1x128xf32>
    %max3A_169 = arith.maximumf %max3A_167, %slice3A_168 : vector<1x128xf32>
    %slice3A_170 = vector.extract_strided_slice %dot_general3A_7 {offsets = [0, 10368], sizes = [1, 128], strides = [1, 1]} : vector<1x16000xf32> to vector<1x128xf32>
    %max3A_171 = arith.maximumf %max3A_169, %slice3A_170 : vector<1x128xf32>
    %slice3A_172 = vector.extract_strided_slice %dot_general3A_7 {offsets = [0, 10496], sizes = [1, 128], strides = [1, 1]} : vector<1x16000xf32> to vector<1x128xf32>
    %max3A_173 = arith.maximumf %max3A_171, %slice3A_172 : vector<1x128xf32>
    %slice3A_174 = vector.extract_strided_slice %dot_general3A_7 {offsets = [0, 10624], sizes = [1, 128], strides = [1, 1]} : vector<1x16000xf32> to vector<1x128xf32>
    %max3A_175 = arith.maximumf %max3A_173, %slice3A_174 : vector<1x128xf32>
    %slice3A_176 = vector.extract_strided_slice %dot_general3A_7 {offsets = [0, 10752], sizes = [1, 128], strides = [1, 1]} : vector<1x16000xf32> to vector<1x128xf32>
    %max3A_177 = arith.maximumf %max3A_175, %slice3A_176 : vector<1x128xf32>
    %slice3A_178 = vector.extract_strided_slice %dot_general3A_7 {offsets = [0, 10880], sizes = [1, 128], strides = [1, 1]} : vector<1x16000xf32> to vector<1x128xf32>
    %max3A_179 = arith.maximumf %max3A_177, %slice3A_178 : vector<1x128xf32>
    %slice3A_180 = vector.extract_strided_slice %dot_general3A_7 {offsets = [0, 11008], sizes = [1, 128], strides = [1, 1]} : vector<1x16000xf32> to vector<1x128xf32>
    %max3A_181 = arith.maximumf %max3A_179, %slice3A_180 : vector<1x128xf32>
    %slice3A_182 = vector.extract_strided_slice %dot_general3A_7 {offsets = [0, 11136], sizes = [1, 128], strides = [1, 1]} : vector<1x16000xf32> to vector<1x128xf32>
    %max3A_183 = arith.maximumf %max3A_181, %slice3A_182 : vector<1x128xf32>
    %slice3A_184 = vector.extract_strided_slice %dot_general3A_7 {offsets = [0, 11264], sizes = [1, 128], strides = [1, 1]} : vector<1x16000xf32> to vector<1x128xf32>
    %max3A_185 = arith.maximumf %max3A_183, %slice3A_184 : vector<1x128xf32>
    %slice3A_186 = vector.extract_strided_slice %dot_general3A_7 {offsets = [0, 11392], sizes = [1, 128], strides = [1, 1]} : vector<1x16000xf32> to vector<1x128xf32>
    %max3A_187 = arith.maximumf %max3A_185, %slice3A_186 : vector<1x128xf32>
    %slice3A_188 = vector.extract_strided_slice %dot_general3A_7 {offsets = [0, 11520], sizes = [1, 128], strides = [1, 1]} : vector<1x16000xf32> to vector<1x128xf32>
    %max3A_189 = arith.maximumf %max3A_187, %slice3A_188 : vector<1x128xf32>
    %slice3A_190 = vector.extract_strided_slice %dot_general3A_7 {offsets = [0, 11648], sizes = [1, 128], strides = [1, 1]} : vector<1x16000xf32> to vector<1x128xf32>
    %max3A_191 = arith.maximumf %max3A_189, %slice3A_190 : vector<1x128xf32>
    %slice3A_192 = vector.extract_strided_slice %dot_general3A_7 {offsets = [0, 11776], sizes = [1, 128], strides = [1, 1]} : vector<1x16000xf32> to vector<1x128xf32>
    %max3A_193 = arith.maximumf %max3A_191, %slice3A_192 : vector<1x128xf32>
    %slice3A_194 = vector.extract_strided_slice %dot_general3A_7 {offsets = [0, 11904], sizes = [1, 128], strides = [1, 1]} : vector<1x16000xf32> to vector<1x128xf32>
    %max3A_195 = arith.maximumf %max3A_193, %slice3A_194 : vector<1x128xf32>
    %slice3A_196 = vector.extract_strided_slice %dot_general3A_7 {offsets = [0, 12032], sizes = [1, 128], strides = [1, 1]} : vector<1x16000xf32> to vector<1x128xf32>
    %max3A_197 = arith.maximumf %max3A_195, %slice3A_196 : vector<1x128xf32>
    %slice3A_198 = vector.extract_strided_slice %dot_general3A_7 {offsets = [0, 12160], sizes = [1, 128], strides = [1, 1]} : vector<1x16000xf32> to vector<1x128xf32>
    %max3A_199 = arith.maximumf %max3A_197, %slice3A_198 : vector<1x128xf32>
    %slice3A_200 = vector.extract_strided_slice %dot_general3A_7 {offsets = [0, 12288], sizes = [1, 128], strides = [1, 1]} : vector<1x16000xf32> to vector<1x128xf32>
    %max3A_201 = arith.maximumf %max3A_199, %slice3A_200 : vector<1x128xf32>
    %slice3A_202 = vector.extract_strided_slice %dot_general3A_7 {offsets = [0, 12416], sizes = [1, 128], strides = [1, 1]} : vector<1x16000xf32> to vector<1x128xf32>
    %max3A_203 = arith.maximumf %max3A_201, %slice3A_202 : vector<1x128xf32>
    %slice3A_204 = vector.extract_strided_slice %dot_general3A_7 {offsets = [0, 12544], sizes = [1, 128], strides = [1, 1]} : vector<1x16000xf32> to vector<1x128xf32>
    %max3A_205 = arith.maximumf %max3A_203, %slice3A_204 : vector<1x128xf32>
    %slice3A_206 = vector.extract_strided_slice %dot_general3A_7 {offsets = [0, 12672], sizes = [1, 128], strides = [1, 1]} : vector<1x16000xf32> to vector<1x128xf32>
    %max3A_207 = arith.maximumf %max3A_205, %slice3A_206 : vector<1x128xf32>
    %slice3A_208 = vector.extract_strided_slice %dot_general3A_7 {offsets = [0, 12800], sizes = [1, 128], strides = [1, 1]} : vector<1x16000xf32> to vector<1x128xf32>
    %max3A_209 = arith.maximumf %max3A_207, %slice3A_208 : vector<1x128xf32>
    %slice3A_210 = vector.extract_strided_slice %dot_general3A_7 {offsets = [0, 12928], sizes = [1, 128], strides = [1, 1]} : vector<1x16000xf32> to vector<1x128xf32>
    %max3A_211 = arith.maximumf %max3A_209, %slice3A_210 : vector<1x128xf32>
    %slice3A_212 = vector.extract_strided_slice %dot_general3A_7 {offsets = [0, 13056], sizes = [1, 128], strides = [1, 1]} : vector<1x16000xf32> to vector<1x128xf32>
    %max3A_213 = arith.maximumf %max3A_211, %slice3A_212 : vector<1x128xf32>
    %slice3A_214 = vector.extract_strided_slice %dot_general3A_7 {offsets = [0, 13184], sizes = [1, 128], strides = [1, 1]} : vector<1x16000xf32> to vector<1x128xf32>
    %max3A_215 = arith.maximumf %max3A_213, %slice3A_214 : vector<1x128xf32>
    %slice3A_216 = vector.extract_strided_slice %dot_general3A_7 {offsets = [0, 13312], sizes = [1, 128], strides = [1, 1]} : vector<1x16000xf32> to vector<1x128xf32>
    %max3A_217 = arith.maximumf %max3A_215, %slice3A_216 : vector<1x128xf32>
    %slice3A_218 = vector.extract_strided_slice %dot_general3A_7 {offsets = [0, 13440], sizes = [1, 128], strides = [1, 1]} : vector<1x16000xf32> to vector<1x128xf32>
    %max3A_219 = arith.maximumf %max3A_217, %slice3A_218 : vector<1x128xf32>
    %slice3A_220 = vector.extract_strided_slice %dot_general3A_7 {offsets = [0, 13568], sizes = [1, 128], strides = [1, 1]} : vector<1x16000xf32> to vector<1x128xf32>
    %max3A_221 = arith.maximumf %max3A_219, %slice3A_220 : vector<1x128xf32>
    %slice3A_222 = vector.extract_strided_slice %dot_general3A_7 {offsets = [0, 13696], sizes = [1, 128], strides = [1, 1]} : vector<1x16000xf32> to vector<1x128xf32>
    %max3A_223 = arith.maximumf %max3A_221, %slice3A_222 : vector<1x128xf32>
    %slice3A_224 = vector.extract_strided_slice %dot_general3A_7 {offsets = [0, 13824], sizes = [1, 128], strides = [1, 1]} : vector<1x16000xf32> to vector<1x128xf32>
    %max3A_225 = arith.maximumf %max3A_223, %slice3A_224 : vector<1x128xf32>
    %slice3A_226 = vector.extract_strided_slice %dot_general3A_7 {offsets = [0, 13952], sizes = [1, 128], strides = [1, 1]} : vector<1x16000xf32> to vector<1x128xf32>
    %max3A_227 = arith.maximumf %max3A_225, %slice3A_226 : vector<1x128xf32>
    %slice3A_228 = vector.extract_strided_slice %dot_general3A_7 {offsets = [0, 14080], sizes = [1, 128], strides = [1, 1]} : vector<1x16000xf32> to vector<1x128xf32>
    %max3A_229 = arith.maximumf %max3A_227, %slice3A_228 : vector<1x128xf32>
    %slice3A_230 = vector.extract_strided_slice %dot_general3A_7 {offsets = [0, 14208], sizes = [1, 128], strides = [1, 1]} : vector<1x16000xf32> to vector<1x128xf32>
    %max3A_231 = arith.maximumf %max3A_229, %slice3A_230 : vector<1x128xf32>
    %slice3A_232 = vector.extract_strided_slice %dot_general3A_7 {offsets = [0, 14336], sizes = [1, 128], strides = [1, 1]} : vector<1x16000xf32> to vector<1x128xf32>
    %max3A_233 = arith.maximumf %max3A_231, %slice3A_232 : vector<1x128xf32>
    %slice3A_234 = vector.extract_strided_slice %dot_general3A_7 {offsets = [0, 14464], sizes = [1, 128], strides = [1, 1]} : vector<1x16000xf32> to vector<1x128xf32>
    %max3A_235 = arith.maximumf %max3A_233, %slice3A_234 : vector<1x128xf32>
    %slice3A_236 = vector.extract_strided_slice %dot_general3A_7 {offsets = [0, 14592], sizes = [1, 128], strides = [1, 1]} : vector<1x16000xf32> to vector<1x128xf32>
    %max3A_237 = arith.maximumf %max3A_235, %slice3A_236 : vector<1x128xf32>
    %slice3A_238 = vector.extract_strided_slice %dot_general3A_7 {offsets = [0, 14720], sizes = [1, 128], strides = [1, 1]} : vector<1x16000xf32> to vector<1x128xf32>
    %max3A_239 = arith.maximumf %max3A_237, %slice3A_238 : vector<1x128xf32>
    %slice3A_240 = vector.extract_strided_slice %dot_general3A_7 {offsets = [0, 14848], sizes = [1, 128], strides = [1, 1]} : vector<1x16000xf32> to vector<1x128xf32>
    %max3A_241 = arith.maximumf %max3A_239, %slice3A_240 : vector<1x128xf32>
    %slice3A_242 = vector.extract_strided_slice %dot_general3A_7 {offsets = [0, 14976], sizes = [1, 128], strides = [1, 1]} : vector<1x16000xf32> to vector<1x128xf32>
    %max3A_243 = arith.maximumf %max3A_241, %slice3A_242 : vector<1x128xf32>
    %slice3A_244 = vector.extract_strided_slice %dot_general3A_7 {offsets = [0, 15104], sizes = [1, 128], strides = [1, 1]} : vector<1x16000xf32> to vector<1x128xf32>
    %max3A_245 = arith.maximumf %max3A_243, %slice3A_244 : vector<1x128xf32>
    %slice3A_246 = vector.extract_strided_slice %dot_general3A_7 {offsets = [0, 15232], sizes = [1, 128], strides = [1, 1]} : vector<1x16000xf32> to vector<1x128xf32>
    %max3A_247 = arith.maximumf %max3A_245, %slice3A_246 : vector<1x128xf32>
    %slice3A_248 = vector.extract_strided_slice %dot_general3A_7 {offsets = [0, 15360], sizes = [1, 128], strides = [1, 1]} : vector<1x16000xf32> to vector<1x128xf32>
    %max3A_249 = arith.maximumf %max3A_247, %slice3A_248 : vector<1x128xf32>
    %slice3A_250 = vector.extract_strided_slice %dot_general3A_7 {offsets = [0, 15488], sizes = [1, 128], strides = [1, 1]} : vector<1x16000xf32> to vector<1x128xf32>
    %max3A_251 = arith.maximumf %max3A_249, %slice3A_250 : vector<1x128xf32>
    %slice3A_252 = vector.extract_strided_slice %dot_general3A_7 {offsets = [0, 15616], sizes = [1, 128], strides = [1, 1]} : vector<1x16000xf32> to vector<1x128xf32>
    %max3A_253 = arith.maximumf %max3A_251, %slice3A_252 : vector<1x128xf32>
    %slice3A_254 = vector.extract_strided_slice %dot_general3A_7 {offsets = [0, 15744], sizes = [1, 128], strides = [1, 1]} : vector<1x16000xf32> to vector<1x128xf32>
    %max3A_255 = arith.maximumf %max3A_253, %slice3A_254 : vector<1x128xf32>
    %slice3A_256 = vector.extract_strided_slice %dot_general3A_7 {offsets = [0, 15872], sizes = [1, 128], strides = [1, 1]} : vector<1x16000xf32> to vector<1x128xf32>
    %max3A_257 = arith.maximumf %max3A_255, %slice3A_256 : vector<1x128xf32>
    %get3A_258 = arith.constant 0 : index
    %get3A_259 = arith.constant 0 : index
    %get3A_260 = vector.load %arg10[%get3A_258, %get3A_259] : memref<1x128xf32, #tpu.memory_space<vmem>>, vector<1x128xf32>
    %max3A_261 = arith.maximumf %get3A_260, %max3A_257 : vector<1x128xf32>
    %slice3A_262 = vector.extract_strided_slice %dot_general3A_7 {offsets = [0, 0], sizes = [1, 128], strides = [1, 1]} : vector<1x16000xf32> to vector<1x128xf32>
    %sub3A = arith.subf %slice3A_262, %max3A_261 : vector<1x128xf32>
    %exp3A = math.exp %sub3A : vector<1x128xf32>
    %slice3A_263 = vector.extract_strided_slice %dot_general3A_7 {offsets = [0, 128], sizes = [1, 128], strides = [1, 1]} : vector<1x16000xf32> to vector<1x128xf32>
    %sub3A_264 = arith.subf %slice3A_263, %max3A_261 : vector<1x128xf32>
    %exp3A_265 = math.exp %sub3A_264 : vector<1x128xf32>
    %add3A = arith.addf %exp3A, %exp3A_265 : vector<1x128xf32>
    %slice3A_266 = vector.extract_strided_slice %dot_general3A_7 {offsets = [0, 256], sizes = [1, 128], strides = [1, 1]} : vector<1x16000xf32> to vector<1x128xf32>
    %sub3A_267 = arith.subf %slice3A_266, %max3A_261 : vector<1x128xf32>
    %exp3A_268 = math.exp %sub3A_267 : vector<1x128xf32>
    %add3A_269 = arith.addf %add3A, %exp3A_268 : vector<1x128xf32>
    %slice3A_270 = vector.extract_strided_slice %dot_general3A_7 {offsets = [0, 384], sizes = [1, 128], strides = [1, 1]} : vector<1x16000xf32> to vector<1x128xf32>
    %sub3A_271 = arith.subf %slice3A_270, %max3A_261 : vector<1x128xf32>
    %exp3A_272 = math.exp %sub3A_271 : vector<1x128xf32>
    %add3A_273 = arith.addf %add3A_269, %exp3A_272 : vector<1x128xf32>
    %slice3A_274 = vector.extract_strided_slice %dot_general3A_7 {offsets = [0, 512], sizes = [1, 128], strides = [1, 1]} : vector<1x16000xf32> to vector<1x128xf32>
    %sub3A_275 = arith.subf %slice3A_274, %max3A_261 : vector<1x128xf32>
    %exp3A_276 = math.exp %sub3A_275 : vector<1x128xf32>
    %add3A_277 = arith.addf %add3A_273, %exp3A_276 : vector<1x128xf32>
    %slice3A_278 = vector.extract_strided_slice %dot_general3A_7 {offsets = [0, 640], sizes = [1, 128], strides = [1, 1]} : vector<1x16000xf32> to vector<1x128xf32>
    %sub3A_279 = arith.subf %slice3A_278, %max3A_261 : vector<1x128xf32>
    %exp3A_280 = math.exp %sub3A_279 : vector<1x128xf32>
    %add3A_281 = arith.addf %add3A_277, %exp3A_280 : vector<1x128xf32>
    %slice3A_282 = vector.extract_strided_slice %dot_general3A_7 {offsets = [0, 768], sizes = [1, 128], strides = [1, 1]} : vector<1x16000xf32> to vector<1x128xf32>
    %sub3A_283 = arith.subf %slice3A_282, %max3A_261 : vector<1x128xf32>
    %exp3A_284 = math.exp %sub3A_283 : vector<1x128xf32>
    %add3A_285 = arith.addf %add3A_281, %exp3A_284 : vector<1x128xf32>
    %slice3A_286 = vector.extract_strided_slice %dot_general3A_7 {offsets = [0, 896], sizes = [1, 128], strides = [1, 1]} : vector<1x16000xf32> to vector<1x128xf32>
    %sub3A_287 = arith.subf %slice3A_286, %max3A_261 : vector<1x128xf32>
    %exp3A_288 = math.exp %sub3A_287 : vector<1x128xf32>
    %add3A_289 = arith.addf %add3A_285, %exp3A_288 : vector<1x128xf32>
    %slice3A_290 = vector.extract_strided_slice %dot_general3A_7 {offsets = [0, 1024], sizes = [1, 128], strides = [1, 1]} : vector<1x16000xf32> to vector<1x128xf32>
    %sub3A_291 = arith.subf %slice3A_290, %max3A_261 : vector<1x128xf32>
    %exp3A_292 = math.exp %sub3A_291 : vector<1x128xf32>
    %add3A_293 = arith.addf %add3A_289, %exp3A_292 : vector<1x128xf32>
    %slice3A_294 = vector.extract_strided_slice %dot_general3A_7 {offsets = [0, 1152], sizes = [1, 128], strides = [1, 1]} : vector<1x16000xf32> to vector<1x128xf32>
    %sub3A_295 = arith.subf %slice3A_294, %max3A_261 : vector<1x128xf32>
    %exp3A_296 = math.exp %sub3A_295 : vector<1x128xf32>
    %add3A_297 = arith.addf %add3A_293, %exp3A_296 : vector<1x128xf32>
    %slice3A_298 = vector.extract_strided_slice %dot_general3A_7 {offsets = [0, 1280], sizes = [1, 128], strides = [1, 1]} : vector<1x16000xf32> to vector<1x128xf32>
    %sub3A_299 = arith.subf %slice3A_298, %max3A_261 : vector<1x128xf32>
    %exp3A_300 = math.exp %sub3A_299 : vector<1x128xf32>
    %add3A_301 = arith.addf %add3A_297, %exp3A_300 : vector<1x128xf32>
    %slice3A_302 = vector.extract_strided_slice %dot_general3A_7 {offsets = [0, 1408], sizes = [1, 128], strides = [1, 1]} : vector<1x16000xf32> to vector<1x128xf32>
    %sub3A_303 = arith.subf %slice3A_302, %max3A_261 : vector<1x128xf32>
    %exp3A_304 = math.exp %sub3A_303 : vector<1x128xf32>
    %add3A_305 = arith.addf %add3A_301, %exp3A_304 : vector<1x128xf32>
    %slice3A_306 = vector.extract_strided_slice %dot_general3A_7 {offsets = [0, 1536], sizes = [1, 128], strides = [1, 1]} : vector<1x16000xf32> to vector<1x128xf32>
    %sub3A_307 = arith.subf %slice3A_306, %max3A_261 : vector<1x128xf32>
    %exp3A_308 = math.exp %sub3A_307 : vector<1x128xf32>
    %add3A_309 = arith.addf %add3A_305, %exp3A_308 : vector<1x128xf32>
    %slice3A_310 = vector.extract_strided_slice %dot_general3A_7 {offsets = [0, 1664], sizes = [1, 128], strides = [1, 1]} : vector<1x16000xf32> to vector<1x128xf32>
    %sub3A_311 = arith.subf %slice3A_310, %max3A_261 : vector<1x128xf32>
    %exp3A_312 = math.exp %sub3A_311 : vector<1x128xf32>
    %add3A_313 = arith.addf %add3A_309, %exp3A_312 : vector<1x128xf32>
    %slice3A_314 = vector.extract_strided_slice %dot_general3A_7 {offsets = [0, 1792], sizes = [1, 128], strides = [1, 1]} : vector<1x16000xf32> to vector<1x128xf32>
    %sub3A_315 = arith.subf %slice3A_314, %max3A_261 : vector<1x128xf32>
    %exp3A_316 = math.exp %sub3A_315 : vector<1x128xf32>
    %add3A_317 = arith.addf %add3A_313, %exp3A_316 : vector<1x128xf32>
    %slice3A_318 = vector.extract_strided_slice %dot_general3A_7 {offsets = [0, 1920], sizes = [1, 128], strides = [1, 1]} : vector<1x16000xf32> to vector<1x128xf32>
    %sub3A_319 = arith.subf %slice3A_318, %max3A_261 : vector<1x128xf32>
    %exp3A_320 = math.exp %sub3A_319 : vector<1x128xf32>
    %add3A_321 = arith.addf %add3A_317, %exp3A_320 : vector<1x128xf32>
    %slice3A_322 = vector.extract_strided_slice %dot_general3A_7 {offsets = [0, 2048], sizes = [1, 128], strides = [1, 1]} : vector<1x16000xf32> to vector<1x128xf32>
    %sub3A_323 = arith.subf %slice3A_322, %max3A_261 : vector<1x128xf32>
    %exp3A_324 = math.exp %sub3A_323 : vector<1x128xf32>
    %add3A_325 = arith.addf %add3A_321, %exp3A_324 : vector<1x128xf32>
    %slice3A_326 = vector.extract_strided_slice %dot_general3A_7 {offsets = [0, 2176], sizes = [1, 128], strides = [1, 1]} : vector<1x16000xf32> to vector<1x128xf32>
    %sub3A_327 = arith.subf %slice3A_326, %max3A_261 : vector<1x128xf32>
    %exp3A_328 = math.exp %sub3A_327 : vector<1x128xf32>
    %add3A_329 = arith.addf %add3A_325, %exp3A_328 : vector<1x128xf32>
    %slice3A_330 = vector.extract_strided_slice %dot_general3A_7 {offsets = [0, 2304], sizes = [1, 128], strides = [1, 1]} : vector<1x16000xf32> to vector<1x128xf32>
    %sub3A_331 = arith.subf %slice3A_330, %max3A_261 : vector<1x128xf32>
    %exp3A_332 = math.exp %sub3A_331 : vector<1x128xf32>
    %add3A_333 = arith.addf %add3A_329, %exp3A_332 : vector<1x128xf32>
    %slice3A_334 = vector.extract_strided_slice %dot_general3A_7 {offsets = [0, 2432], sizes = [1, 128], strides = [1, 1]} : vector<1x16000xf32> to vector<1x128xf32>
    %sub3A_335 = arith.subf %slice3A_334, %max3A_261 : vector<1x128xf32>
    %exp3A_336 = math.exp %sub3A_335 : vector<1x128xf32>
    %add3A_337 = arith.addf %add3A_333, %exp3A_336 : vector<1x128xf32>
    %slice3A_338 = vector.extract_strided_slice %dot_general3A_7 {offsets = [0, 2560], sizes = [1, 128], strides = [1, 1]} : vector<1x16000xf32> to vector<1x128xf32>
    %sub3A_339 = arith.subf %slice3A_338, %max3A_261 : vector<1x128xf32>
    %exp3A_340 = math.exp %sub3A_339 : vector<1x128xf32>
    %add3A_341 = arith.addf %add3A_337, %exp3A_340 : vector<1x128xf32>
    %slice3A_342 = vector.extract_strided_slice %dot_general3A_7 {offsets = [0, 2688], sizes = [1, 128], strides = [1, 1]} : vector<1x16000xf32> to vector<1x128xf32>
    %sub3A_343 = arith.subf %slice3A_342, %max3A_261 : vector<1x128xf32>
    %exp3A_344 = math.exp %sub3A_343 : vector<1x128xf32>
    %add3A_345 = arith.addf %add3A_341, %exp3A_344 : vector<1x128xf32>
    %slice3A_346 = vector.extract_strided_slice %dot_general3A_7 {offsets = [0, 2816], sizes = [1, 128], strides = [1, 1]} : vector<1x16000xf32> to vector<1x128xf32>
    %sub3A_347 = arith.subf %slice3A_346, %max3A_261 : vector<1x128xf32>
    %exp3A_348 = math.exp %sub3A_347 : vector<1x128xf32>
    %add3A_349 = arith.addf %add3A_345, %exp3A_348 : vector<1x128xf32>
    %slice3A_350 = vector.extract_strided_slice %dot_general3A_7 {offsets = [0, 2944], sizes = [1, 128], strides = [1, 1]} : vector<1x16000xf32> to vector<1x128xf32>
    %sub3A_351 = arith.subf %slice3A_350, %max3A_261 : vector<1x128xf32>
    %exp3A_352 = math.exp %sub3A_351 : vector<1x128xf32>
    %add3A_353 = arith.addf %add3A_349, %exp3A_352 : vector<1x128xf32>
    %slice3A_354 = vector.extract_strided_slice %dot_general3A_7 {offsets = [0, 3072], sizes = [1, 128], strides = [1, 1]} : vector<1x16000xf32> to vector<1x128xf32>
    %sub3A_355 = arith.subf %slice3A_354, %max3A_261 : vector<1x128xf32>
    %exp3A_356 = math.exp %sub3A_355 : vector<1x128xf32>
    %add3A_357 = arith.addf %add3A_353, %exp3A_356 : vector<1x128xf32>
    %slice3A_358 = vector.extract_strided_slice %dot_general3A_7 {offsets = [0, 3200], sizes = [1, 128], strides = [1, 1]} : vector<1x16000xf32> to vector<1x128xf32>
    %sub3A_359 = arith.subf %slice3A_358, %max3A_261 : vector<1x128xf32>
    %exp3A_360 = math.exp %sub3A_359 : vector<1x128xf32>
    %add3A_361 = arith.addf %add3A_357, %exp3A_360 : vector<1x128xf32>
    %slice3A_362 = vector.extract_strided_slice %dot_general3A_7 {offsets = [0, 3328], sizes = [1, 128], strides = [1, 1]} : vector<1x16000xf32> to vector<1x128xf32>
    %sub3A_363 = arith.subf %slice3A_362, %max3A_261 : vector<1x128xf32>
    %exp3A_364 = math.exp %sub3A_363 : vector<1x128xf32>
    %add3A_365 = arith.addf %add3A_361, %exp3A_364 : vector<1x128xf32>
    %slice3A_366 = vector.extract_strided_slice %dot_general3A_7 {offsets = [0, 3456], sizes = [1, 128], strides = [1, 1]} : vector<1x16000xf32> to vector<1x128xf32>
    %sub3A_367 = arith.subf %slice3A_366, %max3A_261 : vector<1x128xf32>
    %exp3A_368 = math.exp %sub3A_367 : vector<1x128xf32>
    %add3A_369 = arith.addf %add3A_365, %exp3A_368 : vector<1x128xf32>
    %slice3A_370 = vector.extract_strided_slice %dot_general3A_7 {offsets = [0, 3584], sizes = [1, 128], strides = [1, 1]} : vector<1x16000xf32> to vector<1x128xf32>
    %sub3A_371 = arith.subf %slice3A_370, %max3A_261 : vector<1x128xf32>
    %exp3A_372 = math.exp %sub3A_371 : vector<1x128xf32>
    %add3A_373 = arith.addf %add3A_369, %exp3A_372 : vector<1x128xf32>
    %slice3A_374 = vector.extract_strided_slice %dot_general3A_7 {offsets = [0, 3712], sizes = [1, 128], strides = [1, 1]} : vector<1x16000xf32> to vector<1x128xf32>
    %sub3A_375 = arith.subf %slice3A_374, %max3A_261 : vector<1x128xf32>
    %exp3A_376 = math.exp %sub3A_375 : vector<1x128xf32>
    %add3A_377 = arith.addf %add3A_373, %exp3A_376 : vector<1x128xf32>
    %slice3A_378 = vector.extract_strided_slice %dot_general3A_7 {offsets = [0, 3840], sizes = [1, 128], strides = [1, 1]} : vector<1x16000xf32> to vector<1x128xf32>
    %sub3A_379 = arith.subf %slice3A_378, %max3A_261 : vector<1x128xf32>
    %exp3A_380 = math.exp %sub3A_379 : vector<1x128xf32>
    %add3A_381 = arith.addf %add3A_377, %exp3A_380 : vector<1x128xf32>
    %slice3A_382 = vector.extract_strided_slice %dot_general3A_7 {offsets = [0, 3968], sizes = [1, 128], strides = [1, 1]} : vector<1x16000xf32> to vector<1x128xf32>
    %sub3A_383 = arith.subf %slice3A_382, %max3A_261 : vector<1x128xf32>
    %exp3A_384 = math.exp %sub3A_383 : vector<1x128xf32>
    %add3A_385 = arith.addf %add3A_381, %exp3A_384 : vector<1x128xf32>
    %slice3A_386 = vector.extract_strided_slice %dot_general3A_7 {offsets = [0, 4096], sizes = [1, 128], strides = [1, 1]} : vector<1x16000xf32> to vector<1x128xf32>
    %sub3A_387 = arith.subf %slice3A_386, %max3A_261 : vector<1x128xf32>
    %exp3A_388 = math.exp %sub3A_387 : vector<1x128xf32>
    %add3A_389 = arith.addf %add3A_385, %exp3A_388 : vector<1x128xf32>
    %slice3A_390 = vector.extract_strided_slice %dot_general3A_7 {offsets = [0, 4224], sizes = [1, 128], strides = [1, 1]} : vector<1x16000xf32> to vector<1x128xf32>
    %sub3A_391 = arith.subf %slice3A_390, %max3A_261 : vector<1x128xf32>
    %exp3A_392 = math.exp %sub3A_391 : vector<1x128xf32>
    %add3A_393 = arith.addf %add3A_389, %exp3A_392 : vector<1x128xf32>
    %slice3A_394 = vector.extract_strided_slice %dot_general3A_7 {offsets = [0, 4352], sizes = [1, 128], strides = [1, 1]} : vector<1x16000xf32> to vector<1x128xf32>
    %sub3A_395 = arith.subf %slice3A_394, %max3A_261 : vector<1x128xf32>
    %exp3A_396 = math.exp %sub3A_395 : vector<1x128xf32>
    %add3A_397 = arith.addf %add3A_393, %exp3A_396 : vector<1x128xf32>
    %slice3A_398 = vector.extract_strided_slice %dot_general3A_7 {offsets = [0, 4480], sizes = [1, 128], strides = [1, 1]} : vector<1x16000xf32> to vector<1x128xf32>
    %sub3A_399 = arith.subf %slice3A_398, %max3A_261 : vector<1x128xf32>
    %exp3A_400 = math.exp %sub3A_399 : vector<1x128xf32>
    %add3A_401 = arith.addf %add3A_397, %exp3A_400 : vector<1x128xf32>
    %slice3A_402 = vector.extract_strided_slice %dot_general3A_7 {offsets = [0, 4608], sizes = [1, 128], strides = [1, 1]} : vector<1x16000xf32> to vector<1x128xf32>
    %sub3A_403 = arith.subf %slice3A_402, %max3A_261 : vector<1x128xf32>
    %exp3A_404 = math.exp %sub3A_403 : vector<1x128xf32>
    %add3A_405 = arith.addf %add3A_401, %exp3A_404 : vector<1x128xf32>
    %slice3A_406 = vector.extract_strided_slice %dot_general3A_7 {offsets = [0, 4736], sizes = [1, 128], strides = [1, 1]} : vector<1x16000xf32> to vector<1x128xf32>
    %sub3A_407 = arith.subf %slice3A_406, %max3A_261 : vector<1x128xf32>
    %exp3A_408 = math.exp %sub3A_407 : vector<1x128xf32>
    %add3A_409 = arith.addf %add3A_405, %exp3A_408 : vector<1x128xf32>
    %slice3A_410 = vector.extract_strided_slice %dot_general3A_7 {offsets = [0, 4864], sizes = [1, 128], strides = [1, 1]} : vector<1x16000xf32> to vector<1x128xf32>
    %sub3A_411 = arith.subf %slice3A_410, %max3A_261 : vector<1x128xf32>
    %exp3A_412 = math.exp %sub3A_411 : vector<1x128xf32>
    %add3A_413 = arith.addf %add3A_409, %exp3A_412 : vector<1x128xf32>
    %slice3A_414 = vector.extract_strided_slice %dot_general3A_7 {offsets = [0, 4992], sizes = [1, 128], strides = [1, 1]} : vector<1x16000xf32> to vector<1x128xf32>
    %sub3A_415 = arith.subf %slice3A_414, %max3A_261 : vector<1x128xf32>
    %exp3A_416 = math.exp %sub3A_415 : vector<1x128xf32>
    %add3A_417 = arith.addf %add3A_413, %exp3A_416 : vector<1x128xf32>
    %slice3A_418 = vector.extract_strided_slice %dot_general3A_7 {offsets = [0, 5120], sizes = [1, 128], strides = [1, 1]} : vector<1x16000xf32> to vector<1x128xf32>
    %sub3A_419 = arith.subf %slice3A_418, %max3A_261 : vector<1x128xf32>
    %exp3A_420 = math.exp %sub3A_419 : vector<1x128xf32>
    %add3A_421 = arith.addf %add3A_417, %exp3A_420 : vector<1x128xf32>
    %slice3A_422 = vector.extract_strided_slice %dot_general3A_7 {offsets = [0, 5248], sizes = [1, 128], strides = [1, 1]} : vector<1x16000xf32> to vector<1x128xf32>
    %sub3A_423 = arith.subf %slice3A_422, %max3A_261 : vector<1x128xf32>
    %exp3A_424 = math.exp %sub3A_423 : vector<1x128xf32>
    %add3A_425 = arith.addf %add3A_421, %exp3A_424 : vector<1x128xf32>
    %slice3A_426 = vector.extract_strided_slice %dot_general3A_7 {offsets = [0, 5376], sizes = [1, 128], strides = [1, 1]} : vector<1x16000xf32> to vector<1x128xf32>
    %sub3A_427 = arith.subf %slice3A_426, %max3A_261 : vector<1x128xf32>
    %exp3A_428 = math.exp %sub3A_427 : vector<1x128xf32>
    %add3A_429 = arith.addf %add3A_425, %exp3A_428 : vector<1x128xf32>
    %slice3A_430 = vector.extract_strided_slice %dot_general3A_7 {offsets = [0, 5504], sizes = [1, 128], strides = [1, 1]} : vector<1x16000xf32> to vector<1x128xf32>
    %sub3A_431 = arith.subf %slice3A_430, %max3A_261 : vector<1x128xf32>
    %exp3A_432 = math.exp %sub3A_431 : vector<1x128xf32>
    %add3A_433 = arith.addf %add3A_429, %exp3A_432 : vector<1x128xf32>
    %slice3A_434 = vector.extract_strided_slice %dot_general3A_7 {offsets = [0, 5632], sizes = [1, 128], strides = [1, 1]} : vector<1x16000xf32> to vector<1x128xf32>
    %sub3A_435 = arith.subf %slice3A_434, %max3A_261 : vector<1x128xf32>
    %exp3A_436 = math.exp %sub3A_435 : vector<1x128xf32>
    %add3A_437 = arith.addf %add3A_433, %exp3A_436 : vector<1x128xf32>
    %slice3A_438 = vector.extract_strided_slice %dot_general3A_7 {offsets = [0, 5760], sizes = [1, 128], strides = [1, 1]} : vector<1x16000xf32> to vector<1x128xf32>
    %sub3A_439 = arith.subf %slice3A_438, %max3A_261 : vector<1x128xf32>
    %exp3A_440 = math.exp %sub3A_439 : vector<1x128xf32>
    %add3A_441 = arith.addf %add3A_437, %exp3A_440 : vector<1x128xf32>
    %slice3A_442 = vector.extract_strided_slice %dot_general3A_7 {offsets = [0, 5888], sizes = [1, 128], strides = [1, 1]} : vector<1x16000xf32> to vector<1x128xf32>
    %sub3A_443 = arith.subf %slice3A_442, %max3A_261 : vector<1x128xf32>
    %exp3A_444 = math.exp %sub3A_443 : vector<1x128xf32>
    %add3A_445 = arith.addf %add3A_441, %exp3A_444 : vector<1x128xf32>
    %slice3A_446 = vector.extract_strided_slice %dot_general3A_7 {offsets = [0, 6016], sizes = [1, 128], strides = [1, 1]} : vector<1x16000xf32> to vector<1x128xf32>
    %sub3A_447 = arith.subf %slice3A_446, %max3A_261 : vector<1x128xf32>
    %exp3A_448 = math.exp %sub3A_447 : vector<1x128xf32>
    %add3A_449 = arith.addf %add3A_445, %exp3A_448 : vector<1x128xf32>
    %slice3A_450 = vector.extract_strided_slice %dot_general3A_7 {offsets = [0, 6144], sizes = [1, 128], strides = [1, 1]} : vector<1x16000xf32> to vector<1x128xf32>
    %sub3A_451 = arith.subf %slice3A_450, %max3A_261 : vector<1x128xf32>
    %exp3A_452 = math.exp %sub3A_451 : vector<1x128xf32>
    %add3A_453 = arith.addf %add3A_449, %exp3A_452 : vector<1x128xf32>
    %slice3A_454 = vector.extract_strided_slice %dot_general3A_7 {offsets = [0, 6272], sizes = [1, 128], strides = [1, 1]} : vector<1x16000xf32> to vector<1x128xf32>
    %sub3A_455 = arith.subf %slice3A_454, %max3A_261 : vector<1x128xf32>
    %exp3A_456 = math.exp %sub3A_455 : vector<1x128xf32>
    %add3A_457 = arith.addf %add3A_453, %exp3A_456 : vector<1x128xf32>
    %slice3A_458 = vector.extract_strided_slice %dot_general3A_7 {offsets = [0, 6400], sizes = [1, 128], strides = [1, 1]} : vector<1x16000xf32> to vector<1x128xf32>
    %sub3A_459 = arith.subf %slice3A_458, %max3A_261 : vector<1x128xf32>
    %exp3A_460 = math.exp %sub3A_459 : vector<1x128xf32>
    %add3A_461 = arith.addf %add3A_457, %exp3A_460 : vector<1x128xf32>
    %slice3A_462 = vector.extract_strided_slice %dot_general3A_7 {offsets = [0, 6528], sizes = [1, 128], strides = [1, 1]} : vector<1x16000xf32> to vector<1x128xf32>
    %sub3A_463 = arith.subf %slice3A_462, %max3A_261 : vector<1x128xf32>
    %exp3A_464 = math.exp %sub3A_463 : vector<1x128xf32>
    %add3A_465 = arith.addf %add3A_461, %exp3A_464 : vector<1x128xf32>
    %slice3A_466 = vector.extract_strided_slice %dot_general3A_7 {offsets = [0, 6656], sizes = [1, 128], strides = [1, 1]} : vector<1x16000xf32> to vector<1x128xf32>
    %sub3A_467 = arith.subf %slice3A_466, %max3A_261 : vector<1x128xf32>
    %exp3A_468 = math.exp %sub3A_467 : vector<1x128xf32>
    %add3A_469 = arith.addf %add3A_465, %exp3A_468 : vector<1x128xf32>
    %slice3A_470 = vector.extract_strided_slice %dot_general3A_7 {offsets = [0, 6784], sizes = [1, 128], strides = [1, 1]} : vector<1x16000xf32> to vector<1x128xf32>
    %sub3A_471 = arith.subf %slice3A_470, %max3A_261 : vector<1x128xf32>
    %exp3A_472 = math.exp %sub3A_471 : vector<1x128xf32>
    %add3A_473 = arith.addf %add3A_469, %exp3A_472 : vector<1x128xf32>
    %slice3A_474 = vector.extract_strided_slice %dot_general3A_7 {offsets = [0, 6912], sizes = [1, 128], strides = [1, 1]} : vector<1x16000xf32> to vector<1x128xf32>
    %sub3A_475 = arith.subf %slice3A_474, %max3A_261 : vector<1x128xf32>
    %exp3A_476 = math.exp %sub3A_475 : vector<1x128xf32>
    %add3A_477 = arith.addf %add3A_473, %exp3A_476 : vector<1x128xf32>
    %slice3A_478 = vector.extract_strided_slice %dot_general3A_7 {offsets = [0, 7040], sizes = [1, 128], strides = [1, 1]} : vector<1x16000xf32> to vector<1x128xf32>
    %sub3A_479 = arith.subf %slice3A_478, %max3A_261 : vector<1x128xf32>
    %exp3A_480 = math.exp %sub3A_479 : vector<1x128xf32>
    %add3A_481 = arith.addf %add3A_477, %exp3A_480 : vector<1x128xf32>
    %slice3A_482 = vector.extract_strided_slice %dot_general3A_7 {offsets = [0, 7168], sizes = [1, 128], strides = [1, 1]} : vector<1x16000xf32> to vector<1x128xf32>
    %sub3A_483 = arith.subf %slice3A_482, %max3A_261 : vector<1x128xf32>
    %exp3A_484 = math.exp %sub3A_483 : vector<1x128xf32>
    %add3A_485 = arith.addf %add3A_481, %exp3A_484 : vector<1x128xf32>
    %slice3A_486 = vector.extract_strided_slice %dot_general3A_7 {offsets = [0, 7296], sizes = [1, 128], strides = [1, 1]} : vector<1x16000xf32> to vector<1x128xf32>
    %sub3A_487 = arith.subf %slice3A_486, %max3A_261 : vector<1x128xf32>
    %exp3A_488 = math.exp %sub3A_487 : vector<1x128xf32>
    %add3A_489 = arith.addf %add3A_485, %exp3A_488 : vector<1x128xf32>
    %slice3A_490 = vector.extract_strided_slice %dot_general3A_7 {offsets = [0, 7424], sizes = [1, 128], strides = [1, 1]} : vector<1x16000xf32> to vector<1x128xf32>
    %sub3A_491 = arith.subf %slice3A_490, %max3A_261 : vector<1x128xf32>
    %exp3A_492 = math.exp %sub3A_491 : vector<1x128xf32>
    %add3A_493 = arith.addf %add3A_489, %exp3A_492 : vector<1x128xf32>
    %slice3A_494 = vector.extract_strided_slice %dot_general3A_7 {offsets = [0, 7552], sizes = [1, 128], strides = [1, 1]} : vector<1x16000xf32> to vector<1x128xf32>
    %sub3A_495 = arith.subf %slice3A_494, %max3A_261 : vector<1x128xf32>
    %exp3A_496 = math.exp %sub3A_495 : vector<1x128xf32>
    %add3A_497 = arith.addf %add3A_493, %exp3A_496 : vector<1x128xf32>
    %slice3A_498 = vector.extract_strided_slice %dot_general3A_7 {offsets = [0, 7680], sizes = [1, 128], strides = [1, 1]} : vector<1x16000xf32> to vector<1x128xf32>
    %sub3A_499 = arith.subf %slice3A_498, %max3A_261 : vector<1x128xf32>
    %exp3A_500 = math.exp %sub3A_499 : vector<1x128xf32>
    %add3A_501 = arith.addf %add3A_497, %exp3A_500 : vector<1x128xf32>
    %slice3A_502 = vector.extract_strided_slice %dot_general3A_7 {offsets = [0, 7808], sizes = [1, 128], strides = [1, 1]} : vector<1x16000xf32> to vector<1x128xf32>
    %sub3A_503 = arith.subf %slice3A_502, %max3A_261 : vector<1x128xf32>
    %exp3A_504 = math.exp %sub3A_503 : vector<1x128xf32>
    %add3A_505 = arith.addf %add3A_501, %exp3A_504 : vector<1x128xf32>
    %slice3A_506 = vector.extract_strided_slice %dot_general3A_7 {offsets = [0, 7936], sizes = [1, 128], strides = [1, 1]} : vector<1x16000xf32> to vector<1x128xf32>
    %sub3A_507 = arith.subf %slice3A_506, %max3A_261 : vector<1x128xf32>
    %exp3A_508 = math.exp %sub3A_507 : vector<1x128xf32>
    %add3A_509 = arith.addf %add3A_505, %exp3A_508 : vector<1x128xf32>
    %slice3A_510 = vector.extract_strided_slice %dot_general3A_7 {offsets = [0, 8064], sizes = [1, 128], strides = [1, 1]} : vector<1x16000xf32> to vector<1x128xf32>
    %sub3A_511 = arith.subf %slice3A_510, %max3A_261 : vector<1x128xf32>
    %exp3A_512 = math.exp %sub3A_511 : vector<1x128xf32>
    %add3A_513 = arith.addf %add3A_509, %exp3A_512 : vector<1x128xf32>
    %slice3A_514 = vector.extract_strided_slice %dot_general3A_7 {offsets = [0, 8192], sizes = [1, 128], strides = [1, 1]} : vector<1x16000xf32> to vector<1x128xf32>
    %sub3A_515 = arith.subf %slice3A_514, %max3A_261 : vector<1x128xf32>
    %exp3A_516 = math.exp %sub3A_515 : vector<1x128xf32>
    %add3A_517 = arith.addf %add3A_513, %exp3A_516 : vector<1x128xf32>
    %slice3A_518 = vector.extract_strided_slice %dot_general3A_7 {offsets = [0, 8320], sizes = [1, 128], strides = [1, 1]} : vector<1x16000xf32> to vector<1x128xf32>
    %sub3A_519 = arith.subf %slice3A_518, %max3A_261 : vector<1x128xf32>
    %exp3A_520 = math.exp %sub3A_519 : vector<1x128xf32>
    %add3A_521 = arith.addf %add3A_517, %exp3A_520 : vector<1x128xf32>
    %slice3A_522 = vector.extract_strided_slice %dot_general3A_7 {offsets = [0, 8448], sizes = [1, 128], strides = [1, 1]} : vector<1x16000xf32> to vector<1x128xf32>
    %sub3A_523 = arith.subf %slice3A_522, %max3A_261 : vector<1x128xf32>
    %exp3A_524 = math.exp %sub3A_523 : vector<1x128xf32>
    %add3A_525 = arith.addf %add3A_521, %exp3A_524 : vector<1x128xf32>
    %slice3A_526 = vector.extract_strided_slice %dot_general3A_7 {offsets = [0, 8576], sizes = [1, 128], strides = [1, 1]} : vector<1x16000xf32> to vector<1x128xf32>
    %sub3A_527 = arith.subf %slice3A_526, %max3A_261 : vector<1x128xf32>
    %exp3A_528 = math.exp %sub3A_527 : vector<1x128xf32>
    %add3A_529 = arith.addf %add3A_525, %exp3A_528 : vector<1x128xf32>
    %slice3A_530 = vector.extract_strided_slice %dot_general3A_7 {offsets = [0, 8704], sizes = [1, 128], strides = [1, 1]} : vector<1x16000xf32> to vector<1x128xf32>
    %sub3A_531 = arith.subf %slice3A_530, %max3A_261 : vector<1x128xf32>
    %exp3A_532 = math.exp %sub3A_531 : vector<1x128xf32>
    %add3A_533 = arith.addf %add3A_529, %exp3A_532 : vector<1x128xf32>
    %slice3A_534 = vector.extract_strided_slice %dot_general3A_7 {offsets = [0, 8832], sizes = [1, 128], strides = [1, 1]} : vector<1x16000xf32> to vector<1x128xf32>
    %sub3A_535 = arith.subf %slice3A_534, %max3A_261 : vector<1x128xf32>
    %exp3A_536 = math.exp %sub3A_535 : vector<1x128xf32>
    %add3A_537 = arith.addf %add3A_533, %exp3A_536 : vector<1x128xf32>
    %slice3A_538 = vector.extract_strided_slice %dot_general3A_7 {offsets = [0, 8960], sizes = [1, 128], strides = [1, 1]} : vector<1x16000xf32> to vector<1x128xf32>
    %sub3A_539 = arith.subf %slice3A_538, %max3A_261 : vector<1x128xf32>
    %exp3A_540 = math.exp %sub3A_539 : vector<1x128xf32>
    %add3A_541 = arith.addf %add3A_537, %exp3A_540 : vector<1x128xf32>
    %slice3A_542 = vector.extract_strided_slice %dot_general3A_7 {offsets = [0, 9088], sizes = [1, 128], strides = [1, 1]} : vector<1x16000xf32> to vector<1x128xf32>
    %sub3A_543 = arith.subf %slice3A_542, %max3A_261 : vector<1x128xf32>
    %exp3A_544 = math.exp %sub3A_543 : vector<1x128xf32>
    %add3A_545 = arith.addf %add3A_541, %exp3A_544 : vector<1x128xf32>
    %slice3A_546 = vector.extract_strided_slice %dot_general3A_7 {offsets = [0, 9216], sizes = [1, 128], strides = [1, 1]} : vector<1x16000xf32> to vector<1x128xf32>
    %sub3A_547 = arith.subf %slice3A_546, %max3A_261 : vector<1x128xf32>
    %exp3A_548 = math.exp %sub3A_547 : vector<1x128xf32>
    %add3A_549 = arith.addf %add3A_545, %exp3A_548 : vector<1x128xf32>
    %slice3A_550 = vector.extract_strided_slice %dot_general3A_7 {offsets = [0, 9344], sizes = [1, 128], strides = [1, 1]} : vector<1x16000xf32> to vector<1x128xf32>
    %sub3A_551 = arith.subf %slice3A_550, %max3A_261 : vector<1x128xf32>
    %exp3A_552 = math.exp %sub3A_551 : vector<1x128xf32>
    %add3A_553 = arith.addf %add3A_549, %exp3A_552 : vector<1x128xf32>
    %slice3A_554 = vector.extract_strided_slice %dot_general3A_7 {offsets = [0, 9472], sizes = [1, 128], strides = [1, 1]} : vector<1x16000xf32> to vector<1x128xf32>
    %sub3A_555 = arith.subf %slice3A_554, %max3A_261 : vector<1x128xf32>
    %exp3A_556 = math.exp %sub3A_555 : vector<1x128xf32>
    %add3A_557 = arith.addf %add3A_553, %exp3A_556 : vector<1x128xf32>
    %slice3A_558 = vector.extract_strided_slice %dot_general3A_7 {offsets = [0, 9600], sizes = [1, 128], strides = [1, 1]} : vector<1x16000xf32> to vector<1x128xf32>
    %sub3A_559 = arith.subf %slice3A_558, %max3A_261 : vector<1x128xf32>
    %exp3A_560 = math.exp %sub3A_559 : vector<1x128xf32>
    %add3A_561 = arith.addf %add3A_557, %exp3A_560 : vector<1x128xf32>
    %slice3A_562 = vector.extract_strided_slice %dot_general3A_7 {offsets = [0, 9728], sizes = [1, 128], strides = [1, 1]} : vector<1x16000xf32> to vector<1x128xf32>
    %sub3A_563 = arith.subf %slice3A_562, %max3A_261 : vector<1x128xf32>
    %exp3A_564 = math.exp %sub3A_563 : vector<1x128xf32>
    %add3A_565 = arith.addf %add3A_561, %exp3A_564 : vector<1x128xf32>
    %slice3A_566 = vector.extract_strided_slice %dot_general3A_7 {offsets = [0, 9856], sizes = [1, 128], strides = [1, 1]} : vector<1x16000xf32> to vector<1x128xf32>
    %sub3A_567 = arith.subf %slice3A_566, %max3A_261 : vector<1x128xf32>
    %exp3A_568 = math.exp %sub3A_567 : vector<1x128xf32>
    %add3A_569 = arith.addf %add3A_565, %exp3A_568 : vector<1x128xf32>
    %slice3A_570 = vector.extract_strided_slice %dot_general3A_7 {offsets = [0, 9984], sizes = [1, 128], strides = [1, 1]} : vector<1x16000xf32> to vector<1x128xf32>
    %sub3A_571 = arith.subf %slice3A_570, %max3A_261 : vector<1x128xf32>
    %exp3A_572 = math.exp %sub3A_571 : vector<1x128xf32>
    %add3A_573 = arith.addf %add3A_569, %exp3A_572 : vector<1x128xf32>
    %slice3A_574 = vector.extract_strided_slice %dot_general3A_7 {offsets = [0, 10112], sizes = [1, 128], strides = [1, 1]} : vector<1x16000xf32> to vector<1x128xf32>
    %sub3A_575 = arith.subf %slice3A_574, %max3A_261 : vector<1x128xf32>
    %exp3A_576 = math.exp %sub3A_575 : vector<1x128xf32>
    %add3A_577 = arith.addf %add3A_573, %exp3A_576 : vector<1x128xf32>
    %slice3A_578 = vector.extract_strided_slice %dot_general3A_7 {offsets = [0, 10240], sizes = [1, 128], strides = [1, 1]} : vector<1x16000xf32> to vector<1x128xf32>
    %sub3A_579 = arith.subf %slice3A_578, %max3A_261 : vector<1x128xf32>
    %exp3A_580 = math.exp %sub3A_579 : vector<1x128xf32>
    %add3A_581 = arith.addf %add3A_577, %exp3A_580 : vector<1x128xf32>
    %slice3A_582 = vector.extract_strided_slice %dot_general3A_7 {offsets = [0, 10368], sizes = [1, 128], strides = [1, 1]} : vector<1x16000xf32> to vector<1x128xf32>
    %sub3A_583 = arith.subf %slice3A_582, %max3A_261 : vector<1x128xf32>
    %exp3A_584 = math.exp %sub3A_583 : vector<1x128xf32>
    %add3A_585 = arith.addf %add3A_581, %exp3A_584 : vector<1x128xf32>
    %slice3A_586 = vector.extract_strided_slice %dot_general3A_7 {offsets = [0, 10496], sizes = [1, 128], strides = [1, 1]} : vector<1x16000xf32> to vector<1x128xf32>
    %sub3A_587 = arith.subf %slice3A_586, %max3A_261 : vector<1x128xf32>
    %exp3A_588 = math.exp %sub3A_587 : vector<1x128xf32>
    %add3A_589 = arith.addf %add3A_585, %exp3A_588 : vector<1x128xf32>
    %slice3A_590 = vector.extract_strided_slice %dot_general3A_7 {offsets = [0, 10624], sizes = [1, 128], strides = [1, 1]} : vector<1x16000xf32> to vector<1x128xf32>
    %sub3A_591 = arith.subf %slice3A_590, %max3A_261 : vector<1x128xf32>
    %exp3A_592 = math.exp %sub3A_591 : vector<1x128xf32>
    %add3A_593 = arith.addf %add3A_589, %exp3A_592 : vector<1x128xf32>
    %slice3A_594 = vector.extract_strided_slice %dot_general3A_7 {offsets = [0, 10752], sizes = [1, 128], strides = [1, 1]} : vector<1x16000xf32> to vector<1x128xf32>
    %sub3A_595 = arith.subf %slice3A_594, %max3A_261 : vector<1x128xf32>
    %exp3A_596 = math.exp %sub3A_595 : vector<1x128xf32>
    %add3A_597 = arith.addf %add3A_593, %exp3A_596 : vector<1x128xf32>
    %slice3A_598 = vector.extract_strided_slice %dot_general3A_7 {offsets = [0, 10880], sizes = [1, 128], strides = [1, 1]} : vector<1x16000xf32> to vector<1x128xf32>
    %sub3A_599 = arith.subf %slice3A_598, %max3A_261 : vector<1x128xf32>
    %exp3A_600 = math.exp %sub3A_599 : vector<1x128xf32>
    %add3A_601 = arith.addf %add3A_597, %exp3A_600 : vector<1x128xf32>
    %slice3A_602 = vector.extract_strided_slice %dot_general3A_7 {offsets = [0, 11008], sizes = [1, 128], strides = [1, 1]} : vector<1x16000xf32> to vector<1x128xf32>
    %sub3A_603 = arith.subf %slice3A_602, %max3A_261 : vector<1x128xf32>
    %exp3A_604 = math.exp %sub3A_603 : vector<1x128xf32>
    %add3A_605 = arith.addf %add3A_601, %exp3A_604 : vector<1x128xf32>
    %slice3A_606 = vector.extract_strided_slice %dot_general3A_7 {offsets = [0, 11136], sizes = [1, 128], strides = [1, 1]} : vector<1x16000xf32> to vector<1x128xf32>
    %sub3A_607 = arith.subf %slice3A_606, %max3A_261 : vector<1x128xf32>
    %exp3A_608 = math.exp %sub3A_607 : vector<1x128xf32>
    %add3A_609 = arith.addf %add3A_605, %exp3A_608 : vector<1x128xf32>
    %slice3A_610 = vector.extract_strided_slice %dot_general3A_7 {offsets = [0, 11264], sizes = [1, 128], strides = [1, 1]} : vector<1x16000xf32> to vector<1x128xf32>
    %sub3A_611 = arith.subf %slice3A_610, %max3A_261 : vector<1x128xf32>
    %exp3A_612 = math.exp %sub3A_611 : vector<1x128xf32>
    %add3A_613 = arith.addf %add3A_609, %exp3A_612 : vector<1x128xf32>
    %slice3A_614 = vector.extract_strided_slice %dot_general3A_7 {offsets = [0, 11392], sizes = [1, 128], strides = [1, 1]} : vector<1x16000xf32> to vector<1x128xf32>
    %sub3A_615 = arith.subf %slice3A_614, %max3A_261 : vector<1x128xf32>
    %exp3A_616 = math.exp %sub3A_615 : vector<1x128xf32>
    %add3A_617 = arith.addf %add3A_613, %exp3A_616 : vector<1x128xf32>
    %slice3A_618 = vector.extract_strided_slice %dot_general3A_7 {offsets = [0, 11520], sizes = [1, 128], strides = [1, 1]} : vector<1x16000xf32> to vector<1x128xf32>
    %sub3A_619 = arith.subf %slice3A_618, %max3A_261 : vector<1x128xf32>
    %exp3A_620 = math.exp %sub3A_619 : vector<1x128xf32>
    %add3A_621 = arith.addf %add3A_617, %exp3A_620 : vector<1x128xf32>
    %slice3A_622 = vector.extract_strided_slice %dot_general3A_7 {offsets = [0, 11648], sizes = [1, 128], strides = [1, 1]} : vector<1x16000xf32> to vector<1x128xf32>
    %sub3A_623 = arith.subf %slice3A_622, %max3A_261 : vector<1x128xf32>
    %exp3A_624 = math.exp %sub3A_623 : vector<1x128xf32>
    %add3A_625 = arith.addf %add3A_621, %exp3A_624 : vector<1x128xf32>
    %slice3A_626 = vector.extract_strided_slice %dot_general3A_7 {offsets = [0, 11776], sizes = [1, 128], strides = [1, 1]} : vector<1x16000xf32> to vector<1x128xf32>
    %sub3A_627 = arith.subf %slice3A_626, %max3A_261 : vector<1x128xf32>
    %exp3A_628 = math.exp %sub3A_627 : vector<1x128xf32>
    %add3A_629 = arith.addf %add3A_625, %exp3A_628 : vector<1x128xf32>
    %slice3A_630 = vector.extract_strided_slice %dot_general3A_7 {offsets = [0, 11904], sizes = [1, 128], strides = [1, 1]} : vector<1x16000xf32> to vector<1x128xf32>
    %sub3A_631 = arith.subf %slice3A_630, %max3A_261 : vector<1x128xf32>
    %exp3A_632 = math.exp %sub3A_631 : vector<1x128xf32>
    %add3A_633 = arith.addf %add3A_629, %exp3A_632 : vector<1x128xf32>
    %slice3A_634 = vector.extract_strided_slice %dot_general3A_7 {offsets = [0, 12032], sizes = [1, 128], strides = [1, 1]} : vector<1x16000xf32> to vector<1x128xf32>
    %sub3A_635 = arith.subf %slice3A_634, %max3A_261 : vector<1x128xf32>
    %exp3A_636 = math.exp %sub3A_635 : vector<1x128xf32>
    %add3A_637 = arith.addf %add3A_633, %exp3A_636 : vector<1x128xf32>
    %slice3A_638 = vector.extract_strided_slice %dot_general3A_7 {offsets = [0, 12160], sizes = [1, 128], strides = [1, 1]} : vector<1x16000xf32> to vector<1x128xf32>
    %sub3A_639 = arith.subf %slice3A_638, %max3A_261 : vector<1x128xf32>
    %exp3A_640 = math.exp %sub3A_639 : vector<1x128xf32>
    %add3A_641 = arith.addf %add3A_637, %exp3A_640 : vector<1x128xf32>
    %slice3A_642 = vector.extract_strided_slice %dot_general3A_7 {offsets = [0, 12288], sizes = [1, 128], strides = [1, 1]} : vector<1x16000xf32> to vector<1x128xf32>
    %sub3A_643 = arith.subf %slice3A_642, %max3A_261 : vector<1x128xf32>
    %exp3A_644 = math.exp %sub3A_643 : vector<1x128xf32>
    %add3A_645 = arith.addf %add3A_641, %exp3A_644 : vector<1x128xf32>
    %slice3A_646 = vector.extract_strided_slice %dot_general3A_7 {offsets = [0, 12416], sizes = [1, 128], strides = [1, 1]} : vector<1x16000xf32> to vector<1x128xf32>
    %sub3A_647 = arith.subf %slice3A_646, %max3A_261 : vector<1x128xf32>
    %exp3A_648 = math.exp %sub3A_647 : vector<1x128xf32>
    %add3A_649 = arith.addf %add3A_645, %exp3A_648 : vector<1x128xf32>
    %slice3A_650 = vector.extract_strided_slice %dot_general3A_7 {offsets = [0, 12544], sizes = [1, 128], strides = [1, 1]} : vector<1x16000xf32> to vector<1x128xf32>
    %sub3A_651 = arith.subf %slice3A_650, %max3A_261 : vector<1x128xf32>
    %exp3A_652 = math.exp %sub3A_651 : vector<1x128xf32>
    %add3A_653 = arith.addf %add3A_649, %exp3A_652 : vector<1x128xf32>
    %slice3A_654 = vector.extract_strided_slice %dot_general3A_7 {offsets = [0, 12672], sizes = [1, 128], strides = [1, 1]} : vector<1x16000xf32> to vector<1x128xf32>
    %sub3A_655 = arith.subf %slice3A_654, %max3A_261 : vector<1x128xf32>
    %exp3A_656 = math.exp %sub3A_655 : vector<1x128xf32>
    %add3A_657 = arith.addf %add3A_653, %exp3A_656 : vector<1x128xf32>
    %slice3A_658 = vector.extract_strided_slice %dot_general3A_7 {offsets = [0, 12800], sizes = [1, 128], strides = [1, 1]} : vector<1x16000xf32> to vector<1x128xf32>
    %sub3A_659 = arith.subf %slice3A_658, %max3A_261 : vector<1x128xf32>
    %exp3A_660 = math.exp %sub3A_659 : vector<1x128xf32>
    %add3A_661 = arith.addf %add3A_657, %exp3A_660 : vector<1x128xf32>
    %slice3A_662 = vector.extract_strided_slice %dot_general3A_7 {offsets = [0, 12928], sizes = [1, 128], strides = [1, 1]} : vector<1x16000xf32> to vector<1x128xf32>
    %sub3A_663 = arith.subf %slice3A_662, %max3A_261 : vector<1x128xf32>
    %exp3A_664 = math.exp %sub3A_663 : vector<1x128xf32>
    %add3A_665 = arith.addf %add3A_661, %exp3A_664 : vector<1x128xf32>
    %slice3A_666 = vector.extract_strided_slice %dot_general3A_7 {offsets = [0, 13056], sizes = [1, 128], strides = [1, 1]} : vector<1x16000xf32> to vector<1x128xf32>
    %sub3A_667 = arith.subf %slice3A_666, %max3A_261 : vector<1x128xf32>
    %exp3A_668 = math.exp %sub3A_667 : vector<1x128xf32>
    %add3A_669 = arith.addf %add3A_665, %exp3A_668 : vector<1x128xf32>
    %slice3A_670 = vector.extract_strided_slice %dot_general3A_7 {offsets = [0, 13184], sizes = [1, 128], strides = [1, 1]} : vector<1x16000xf32> to vector<1x128xf32>
    %sub3A_671 = arith.subf %slice3A_670, %max3A_261 : vector<1x128xf32>
    %exp3A_672 = math.exp %sub3A_671 : vector<1x128xf32>
    %add3A_673 = arith.addf %add3A_669, %exp3A_672 : vector<1x128xf32>
    %slice3A_674 = vector.extract_strided_slice %dot_general3A_7 {offsets = [0, 13312], sizes = [1, 128], strides = [1, 1]} : vector<1x16000xf32> to vector<1x128xf32>
    %sub3A_675 = arith.subf %slice3A_674, %max3A_261 : vector<1x128xf32>
    %exp3A_676 = math.exp %sub3A_675 : vector<1x128xf32>
    %add3A_677 = arith.addf %add3A_673, %exp3A_676 : vector<1x128xf32>
    %slice3A_678 = vector.extract_strided_slice %dot_general3A_7 {offsets = [0, 13440], sizes = [1, 128], strides = [1, 1]} : vector<1x16000xf32> to vector<1x128xf32>
    %sub3A_679 = arith.subf %slice3A_678, %max3A_261 : vector<1x128xf32>
    %exp3A_680 = math.exp %sub3A_679 : vector<1x128xf32>
    %add3A_681 = arith.addf %add3A_677, %exp3A_680 : vector<1x128xf32>
    %slice3A_682 = vector.extract_strided_slice %dot_general3A_7 {offsets = [0, 13568], sizes = [1, 128], strides = [1, 1]} : vector<1x16000xf32> to vector<1x128xf32>
    %sub3A_683 = arith.subf %slice3A_682, %max3A_261 : vector<1x128xf32>
    %exp3A_684 = math.exp %sub3A_683 : vector<1x128xf32>
    %add3A_685 = arith.addf %add3A_681, %exp3A_684 : vector<1x128xf32>
    %slice3A_686 = vector.extract_strided_slice %dot_general3A_7 {offsets = [0, 13696], sizes = [1, 128], strides = [1, 1]} : vector<1x16000xf32> to vector<1x128xf32>
    %sub3A_687 = arith.subf %slice3A_686, %max3A_261 : vector<1x128xf32>
    %exp3A_688 = math.exp %sub3A_687 : vector<1x128xf32>
    %add3A_689 = arith.addf %add3A_685, %exp3A_688 : vector<1x128xf32>
    %slice3A_690 = vector.extract_strided_slice %dot_general3A_7 {offsets = [0, 13824], sizes = [1, 128], strides = [1, 1]} : vector<1x16000xf32> to vector<1x128xf32>
    %sub3A_691 = arith.subf %slice3A_690, %max3A_261 : vector<1x128xf32>
    %exp3A_692 = math.exp %sub3A_691 : vector<1x128xf32>
    %add3A_693 = arith.addf %add3A_689, %exp3A_692 : vector<1x128xf32>
    %slice3A_694 = vector.extract_strided_slice %dot_general3A_7 {offsets = [0, 13952], sizes = [1, 128], strides = [1, 1]} : vector<1x16000xf32> to vector<1x128xf32>
    %sub3A_695 = arith.subf %slice3A_694, %max3A_261 : vector<1x128xf32>
    %exp3A_696 = math.exp %sub3A_695 : vector<1x128xf32>
    %add3A_697 = arith.addf %add3A_693, %exp3A_696 : vector<1x128xf32>
    %slice3A_698 = vector.extract_strided_slice %dot_general3A_7 {offsets = [0, 14080], sizes = [1, 128], strides = [1, 1]} : vector<1x16000xf32> to vector<1x128xf32>
    %sub3A_699 = arith.subf %slice3A_698, %max3A_261 : vector<1x128xf32>
    %exp3A_700 = math.exp %sub3A_699 : vector<1x128xf32>
    %add3A_701 = arith.addf %add3A_697, %exp3A_700 : vector<1x128xf32>
    %slice3A_702 = vector.extract_strided_slice %dot_general3A_7 {offsets = [0, 14208], sizes = [1, 128], strides = [1, 1]} : vector<1x16000xf32> to vector<1x128xf32>
    %sub3A_703 = arith.subf %slice3A_702, %max3A_261 : vector<1x128xf32>
    %exp3A_704 = math.exp %sub3A_703 : vector<1x128xf32>
    %add3A_705 = arith.addf %add3A_701, %exp3A_704 : vector<1x128xf32>
    %slice3A_706 = vector.extract_strided_slice %dot_general3A_7 {offsets = [0, 14336], sizes = [1, 128], strides = [1, 1]} : vector<1x16000xf32> to vector<1x128xf32>
    %sub3A_707 = arith.subf %slice3A_706, %max3A_261 : vector<1x128xf32>
    %exp3A_708 = math.exp %sub3A_707 : vector<1x128xf32>
    %add3A_709 = arith.addf %add3A_705, %exp3A_708 : vector<1x128xf32>
    %slice3A_710 = vector.extract_strided_slice %dot_general3A_7 {offsets = [0, 14464], sizes = [1, 128], strides = [1, 1]} : vector<1x16000xf32> to vector<1x128xf32>
    %sub3A_711 = arith.subf %slice3A_710, %max3A_261 : vector<1x128xf32>
    %exp3A_712 = math.exp %sub3A_711 : vector<1x128xf32>
    %add3A_713 = arith.addf %add3A_709, %exp3A_712 : vector<1x128xf32>
    %slice3A_714 = vector.extract_strided_slice %dot_general3A_7 {offsets = [0, 14592], sizes = [1, 128], strides = [1, 1]} : vector<1x16000xf32> to vector<1x128xf32>
    %sub3A_715 = arith.subf %slice3A_714, %max3A_261 : vector<1x128xf32>
    %exp3A_716 = math.exp %sub3A_715 : vector<1x128xf32>
    %add3A_717 = arith.addf %add3A_713, %exp3A_716 : vector<1x128xf32>
    %slice3A_718 = vector.extract_strided_slice %dot_general3A_7 {offsets = [0, 14720], sizes = [1, 128], strides = [1, 1]} : vector<1x16000xf32> to vector<1x128xf32>
    %sub3A_719 = arith.subf %slice3A_718, %max3A_261 : vector<1x128xf32>
    %exp3A_720 = math.exp %sub3A_719 : vector<1x128xf32>
    %add3A_721 = arith.addf %add3A_717, %exp3A_720 : vector<1x128xf32>
    %slice3A_722 = vector.extract_strided_slice %dot_general3A_7 {offsets = [0, 14848], sizes = [1, 128], strides = [1, 1]} : vector<1x16000xf32> to vector<1x128xf32>
    %sub3A_723 = arith.subf %slice3A_722, %max3A_261 : vector<1x128xf32>
    %exp3A_724 = math.exp %sub3A_723 : vector<1x128xf32>
    %add3A_725 = arith.addf %add3A_721, %exp3A_724 : vector<1x128xf32>
    %slice3A_726 = vector.extract_strided_slice %dot_general3A_7 {offsets = [0, 14976], sizes = [1, 128], strides = [1, 1]} : vector<1x16000xf32> to vector<1x128xf32>
    %sub3A_727 = arith.subf %slice3A_726, %max3A_261 : vector<1x128xf32>
    %exp3A_728 = math.exp %sub3A_727 : vector<1x128xf32>
    %add3A_729 = arith.addf %add3A_725, %exp3A_728 : vector<1x128xf32>
    %slice3A_730 = vector.extract_strided_slice %dot_general3A_7 {offsets = [0, 15104], sizes = [1, 128], strides = [1, 1]} : vector<1x16000xf32> to vector<1x128xf32>
    %sub3A_731 = arith.subf %slice3A_730, %max3A_261 : vector<1x128xf32>
    %exp3A_732 = math.exp %sub3A_731 : vector<1x128xf32>
    %add3A_733 = arith.addf %add3A_729, %exp3A_732 : vector<1x128xf32>
    %slice3A_734 = vector.extract_strided_slice %dot_general3A_7 {offsets = [0, 15232], sizes = [1, 128], strides = [1, 1]} : vector<1x16000xf32> to vector<1x128xf32>
    %sub3A_735 = arith.subf %slice3A_734, %max3A_261 : vector<1x128xf32>
    %exp3A_736 = math.exp %sub3A_735 : vector<1x128xf32>
    %add3A_737 = arith.addf %add3A_733, %exp3A_736 : vector<1x128xf32>
    %slice3A_738 = vector.extract_strided_slice %dot_general3A_7 {offsets = [0, 15360], sizes = [1, 128], strides = [1, 1]} : vector<1x16000xf32> to vector<1x128xf32>
    %sub3A_739 = arith.subf %slice3A_738, %max3A_261 : vector<1x128xf32>
    %exp3A_740 = math.exp %sub3A_739 : vector<1x128xf32>
    %add3A_741 = arith.addf %add3A_737, %exp3A_740 : vector<1x128xf32>
    %slice3A_742 = vector.extract_strided_slice %dot_general3A_7 {offsets = [0, 15488], sizes = [1, 128], strides = [1, 1]} : vector<1x16000xf32> to vector<1x128xf32>
    %sub3A_743 = arith.subf %slice3A_742, %max3A_261 : vector<1x128xf32>
    %exp3A_744 = math.exp %sub3A_743 : vector<1x128xf32>
    %add3A_745 = arith.addf %add3A_741, %exp3A_744 : vector<1x128xf32>
    %slice3A_746 = vector.extract_strided_slice %dot_general3A_7 {offsets = [0, 15616], sizes = [1, 128], strides = [1, 1]} : vector<1x16000xf32> to vector<1x128xf32>
    %sub3A_747 = arith.subf %slice3A_746, %max3A_261 : vector<1x128xf32>
    %exp3A_748 = math.exp %sub3A_747 : vector<1x128xf32>
    %add3A_749 = arith.addf %add3A_745, %exp3A_748 : vector<1x128xf32>
    %slice3A_750 = vector.extract_strided_slice %dot_general3A_7 {offsets = [0, 15744], sizes = [1, 128], strides = [1, 1]} : vector<1x16000xf32> to vector<1x128xf32>
    %sub3A_751 = arith.subf %slice3A_750, %max3A_261 : vector<1x128xf32>
    %exp3A_752 = math.exp %sub3A_751 : vector<1x128xf32>
    %add3A_753 = arith.addf %add3A_749, %exp3A_752 : vector<1x128xf32>
    %slice3A_754 = vector.extract_strided_slice %dot_general3A_7 {offsets = [0, 15872], sizes = [1, 128], strides = [1, 1]} : vector<1x16000xf32> to vector<1x128xf32>
    %sub3A_755 = arith.subf %slice3A_754, %max3A_261 : vector<1x128xf32>
    %exp3A_756 = math.exp %sub3A_755 : vector<1x128xf32>
    %add3A_757 = arith.addf %add3A_753, %exp3A_756 : vector<1x128xf32>
    %get3A_758 = arith.constant 0 : index
    %get3A_759 = arith.constant 0 : index
    %get3A_760 = vector.load %arg11[%get3A_758, %get3A_759] : memref<1x128xf32, #tpu.memory_space<vmem>>, vector<1x128xf32>
    %sub3A_761 = arith.subf %get3A_260, %max3A_261 : vector<1x128xf32>
    %exp3A_762 = math.exp %sub3A_761 : vector<1x128xf32>
    %mul3A = arith.mulf %get3A_760, %exp3A_762 : vector<1x128xf32>
    %add3A_763 = arith.addf %mul3A, %add3A_757 : vector<1x128xf32>
    %swap3A_764 = arith.constant 0 : index
    %swap3A_765 = arith.constant 0 : index
    %swap3A_766 = vector.load %arg11[%swap3A_764, %swap3A_765] : memref<1x128xf32, #tpu.memory_space<vmem>>, vector<1x128xf32>
    tpu.vector_store %arg11[%swap3A_764, %swap3A_765], %add3A_763 {strides = array<i32>} : memref<1x128xf32, #tpu.memory_space<vmem>>, vector<1x128xf32>,
    %swap3A_767 = arith.constant 0 : index
    %swap3A_768 = arith.constant 0 : index
    %swap3A_769 = vector.load %arg10[%swap3A_767, %swap3A_768] : memref<1x128xf32, #tpu.memory_space<vmem>>, vector<1x128xf32>
    tpu.vector_store %arg10[%swap3A_767, %swap3A_768], %max3A_261 {strides = array<i32>} : memref<1x128xf32, #tpu.memory_space<vmem>>, vector<1x128xf32>,
    %eq3A_770 = arith.constant 19 : i32
    %eq3A_771 = arith.cmpi eq, %arg0, %eq3A_770 : i32
    %convert_element_type3A_772 = arith.extui %eq3A_771 : i1 to i32
    %cond3A_773 = arith.constant 0 : i32
    %cond3A_774 = arith.cmpi ne, %convert_element_type3A_772, %cond3A_773 : i32
    scf.if %cond3A_774 {
      %reduce_max3A = vector.shape_cast %max3A_261 : vector<1x128xf32> to vector<1x1x128xf32>
      %reduce_max3A_775 = arith.constant dense<0xFF800000> : vector<1xf32>
      %reduce_max3A_776 = vector.multi_reduction <maximumf>, %reduce_max3A, %reduce_max3A_775 [1, 2] : vector<1x1x128xf32> to vector<1xf32>
      %reduce_max3A_777 = vector.shape_cast %reduce_max3A_776 : vector<1xf32> to vector<1x1x1xf32>
      %reduce_max3A_778 = vector.extract %reduce_max3A_777[0, 0, 0] : f32 from vector<1x1x1xf32>
      %get3A_779 = arith.constant 0 : index
      %get3A_780 = arith.constant 0 : index
      %get3A_781 = vector.load %arg11[%get3A_779, %get3A_780] : memref<1x128xf32, #tpu.memory_space<vmem>>, vector<1x128xf32>
      %sub3A_782 = vector.broadcast %reduce_max3A_778 : f32 to vector<1x128xf32>
      %sub3A_783 = arith.subf %max3A_261, %sub3A_782 : vector<1x128xf32>
      %exp3A_784 = math.exp %sub3A_783 : vector<1x128xf32>
      %mul3A_785 = arith.mulf %get3A_781, %exp3A_784 : vector<1x128xf32>
      %reduce_sum3A = vector.shape_cast %mul3A_785 : vector<1x128xf32> to vector<1x1x128xf32>
      %reduce_sum3A_786 = arith.constant dense<0.000000e+00> : vector<1xf32>
      %reduce_sum3A_787 = vector.multi_reduction <add>, %reduce_sum3A, %reduce_sum3A_786 [1, 2] : vector<1x1x128xf32> to vector<1xf32>
      %reduce_sum3A_788 = vector.shape_cast %reduce_sum3A_787 : vector<1xf32> to vector<1x1x1xf32>
      %reduce_sum3A_789 = vector.extract %reduce_sum3A_788[0, 0, 0] : f32 from vector<1x1x1xf32>
      %broadcast_in_dim3A_790 = vector.broadcast %reduce_max3A_778 : f32 to vector<1x128xf32>
      %swap3A_791 = arith.constant 0 : index
      %swap3A_792 = arith.constant 0 : index
      %swap3A_793 = vector.load %arg6[%swap3A_791, %swap3A_792] : memref<1x128xf32, #tpu.memory_space<vmem>>, vector<1x128xf32>
      tpu.vector_store %arg6[%swap3A_791, %swap3A_792], %broadcast_in_dim3A_790 {strides = array<i32>} : memref<1x128xf32, #tpu.memory_space<vmem>>, vector<1x128xf32>,
      %broadcast_in_dim3A_794 = vector.broadcast %reduce_sum3A_789 : f32 to vector<1x128xf32>
      %swap3A_795 = arith.constant 0 : index
      %swap3A_796 = arith.constant 0 : index
      %swap3A_797 = vector.load %arg7[%swap3A_795, %swap3A_796] : memref<1x128xf32, #tpu.memory_space<vmem>>, vector<1x128xf32>
      tpu.vector_store %arg7[%swap3A_795, %swap3A_796], %broadcast_in_dim3A_794 {strides = array<i32>} : memref<1x128xf32, #tpu.memory_space<vmem>>, vector<1x128xf32>,
      %get3A_798 = arith.constant 0 : index
      %get3A_799 = memref.load %arg1[%get3A_798] : memref<1xi32, #tpu.memory_space<smem>>
      %broadcast_in_dim3A_800 = vector.broadcast %get3A_799 : i32 to vector<1x128xi32>
      %swap3A_801 = arith.constant 0 : index
      %swap3A_802 = arith.constant 0 : index
      %swap3A_803 = vector.load %arg8[%swap3A_801, %swap3A_802] : memref<1x128xi32, #tpu.memory_space<vmem>>, vector<1x128xi32>
      tpu.vector_store %arg8[%swap3A_801, %swap3A_802], %broadcast_in_dim3A_800 {strides = array<i32>} : memref<1x128xi32, #tpu.memory_space<vmem>>, vector<1x128xi32>,
    } else {
    }
    return
  }
  func.func @transform_0(%arg0: i32, %arg1: memref<1xi32, #tpu.memory_space<smem>>) -> (i32, i32) {
    %get3A = arith.constant 0 : index
    %get3A_0 = memref.load %arg1[%get3A] : memref<1xi32, #tpu.memory_space<smem>>
    %jit3A = arith.constant 8 : i32
    %div3A = arith.divsi %get3A_0, %jit3A : i32
    %sign3A = arith.constant 0 : i32
    %sign3A_1 = arith.cmpi sgt, %get3A_0, %sign3A : i32
    %sign3A_2 = arith.extui %sign3A_1 : i1 to i32
    %sign3A_3 = arith.constant 0 : i32
    %sign3A_4 = arith.cmpi slt, %get3A_0, %sign3A_3 : i32
    %sign3A_5 = arith.extui %sign3A_4 : i1 to i32
    %sign3A_6 = arith.subi %sign3A_2, %sign3A_5 : i32
    %sign3A_7 = arith.constant 0 : i32
    %sign3A_8 = arith.cmpi sgt, %jit3A, %sign3A_7 : i32
    %sign3A_9 = arith.extui %sign3A_8 : i1 to i32
    %sign3A_10 = arith.constant 0 : i32
    %sign3A_11 = arith.cmpi slt, %jit3A, %sign3A_10 : i32
    %sign3A_12 = arith.extui %sign3A_11 : i1 to i32
    %sign3A_13 = arith.subi %sign3A_9, %sign3A_12 : i32
    %ne3A = arith.cmpi ne, %sign3A_6, %sign3A_13 : i32
    %rem3A = arith.remsi %get3A_0, %jit3A : i32
    %ne3A_14 = arith.constant 0 : i32
    %ne3A_15 = arith.cmpi ne, %rem3A, %ne3A_14 : i32
    %and3A = arith.andi %ne3A, %ne3A_15 : i1
    %sub3A = arith.constant 1 : i32
    %sub3A_16 = arith.subi %div3A, %sub3A : i32
    %select_n3A = arith.select %and3A, %sub3A_16, %div3A : i32
    %c0_i32 = arith.constant 0 : i32
    %c0_i32_17 = arith.constant 0 : i32
    return %select_n3A, %c0_i32 : i32, i32
  }
  func.func @transform_1(%arg0: i32, %arg1: memref<1xi32, #tpu.memory_space<smem>>) -> (i32, i32) {
    %c0_i32 = arith.constant 0 : i32
    %c0_i32_0 = arith.constant 0 : i32
    %c0_i32_1 = arith.constant 0 : i32
    return %c0_i32, %c0_i32_0 : i32, i32
  }
  func.func @transform_2(%arg0: i32, %arg1: memref<1xi32, #tpu.memory_space<smem>>) -> (i32, i32) {
    %c0_i32 = arith.constant 0 : i32
    %c0_i32_0 = arith.constant 0 : i32
    return %arg0, %c0_i32 : i32, i32
  }
  func.func @transform_3(%arg0: i32, %arg1: memref<1xi32, #tpu.memory_space<smem>>) -> (i32, i32, i32) {
    %c0_i32 = arith.constant 0 : i32
    %c0_i32_0 = arith.constant 0 : i32
    %c0_i32_1 = arith.constant 0 : i32
    return %arg0, %c0_i32, %c0_i32_0 : i32, i32, i32
  }
  func.func @transform_4(%arg0: i32, %arg1: memref<1xi32, #tpu.memory_space<smem>>) -> (i32, i32) {
    %c0_i32 = arith.constant 0 : i32
    %c0_i32_0 = arith.constant 0 : i32
    %c0_i32_1 = arith.constant 0 : i32
    return %c0_i32, %c0_i32_0 : i32, i32
  }
  func.func @transform_5(%arg0: i32, %arg1: memref<1xi32, #tpu.memory_space<smem>>) -> (i32, i32) {
    %c0_i32 = arith.constant 0 : i32
    %c0_i32_0 = arith.constant 0 : i32
    %c0_i32_1 = arith.constant 0 : i32
    return %c0_i32, %c0_i32_0 : i32, i32
  }
  func.func @transform_6(%arg0: i32, %arg1: memref<1xi32, #tpu.memory_space<smem>>) -> (i32, i32) {
    %c0_i32 = arith.constant 0 : i32
    %c0_i32_0 = arith.constant 0 : i32
    %c0_i32_1 = arith.constant 0 : i32
    return %c0_i32, %c0_i32_0 : i32, i32
  }
}

module attributes {stable_mosaic.version = 14 : i64} {
  func.func @_final_body(%arg0: memref<1xi32, #tpu.memory_space<smem>>, %arg1: memref<1xf32, #tpu.memory_space<smem>>, %arg2: memref<32x10000xf32, #tpu.memory_space<vmem>>, %arg3: memref<32x10000xf32, #tpu.memory_space<vmem>>, %arg4: memref<10000x128xf32, #tpu.memory_space<vmem>>, %arg5: memref<128x128xf32, #tpu.memory_space<vmem>>, %arg6: memref<1x128xf32, #tpu.memory_space<vmem>>, %arg7: memref<1x128xf32, #tpu.memory_space<vmem>>, %arg8: memref<1x128xf32, #tpu.memory_space<vmem>>, %arg9: memref<1x384xf32, #tpu.memory_space<vmem>>, %arg10: memref<1x1xf32, #tpu.memory_space<vmem>>) attributes {dimension_semantics = [], scalar_prefetch = 0 : i64, scratch_operands = 0 : i64, tpu.core_type = #tpu.core_type<tc>} {
    %get3A = arith.constant 0 : index
    %get3A_0 = arith.constant 0 : index
    %get3A_1 = vector.load %arg2[%get3A, %get3A_0] : memref<32x10000xf32, #tpu.memory_space<vmem>>, vector<32x10000xf32>
    %reduce_sum3A = arith.constant dense<0.000000e+00> : vector<10000xf32>
    %reduce_sum3A_2 = vector.multi_reduction <add>, %get3A_1, %reduce_sum3A [0] : vector<32x10000xf32> to vector<10000xf32>
    %broadcast_in_dim3A = vector.shape_cast %reduce_sum3A_2 : vector<10000xf32> to vector<1x10000xf32>
    %add3A = arith.constant 1.000000e+00 : f32
    %add3A_3 = vector.broadcast %add3A : f32 to vector<1x10000xf32>
    %add3A_4 = arith.addf %add3A_3, %broadcast_in_dim3A : vector<1x10000xf32>
    %rsqrt3A = math.rsqrt %add3A_4 : vector<1x10000xf32>
    %get3A_5 = arith.constant 0 : index
    %get3A_6 = arith.constant 0 : index
    %get3A_7 = vector.load %arg3[%get3A_5, %get3A_6] : memref<32x10000xf32, #tpu.memory_space<vmem>>, vector<32x10000xf32>
    %reduce_sum3A_8 = arith.constant dense<0.000000e+00> : vector<10000xf32>
    %reduce_sum3A_9 = vector.multi_reduction <add>, %get3A_7, %reduce_sum3A_8 [0] : vector<32x10000xf32> to vector<10000xf32>
    %broadcast_in_dim3A_10 = vector.shape_cast %reduce_sum3A_9 : vector<10000xf32> to vector<1x10000xf32>
    %mul3A = arith.mulf %broadcast_in_dim3A_10, %rsqrt3A : vector<1x10000xf32>
    %get3A_11 = arith.constant 0 : index
    %get3A_12 = arith.constant 0 : index
    %get3A_13 = vector.load %arg4[%get3A_11, %get3A_12] : memref<10000x128xf32, #tpu.memory_space<vmem>>, vector<10000x128xf32>
    %dot_general3A = arith.constant dense<0.000000e+00> : vector<1x128xf32>
    %dot_general3A_14 = tpu.matmul %mul3A, %get3A_13, %dot_general3A {dimension_numbers = #tpu.dot_dimension_numbers<[1], [0], [0], [1], [0, 0, 1, 1], [], []>, transpose_lhs_hint = false} : vector<1x10000xf32>, vector<10000x128xf32>, vector<1x128xf32> -> vector<1x128xf32>
    %iota3A = tpu.iota {dimensions = array<i32: 1>} : vector<1x10000xi32>
    %get3A_15 = arith.constant 0 : index
    %get3A_16 = memref.load %arg0[%get3A_15] : memref<1xi32, #tpu.memory_space<smem>>
    %eq3A = vector.broadcast %get3A_16 : i32 to vector<1x10000xi32>
    %eq3A_17 = arith.cmpi eq, %iota3A, %eq3A : vector<1x10000xi32>
    %convert_element_type3A = arith.extui %eq3A_17 : vector<1x10000xi1> to vector<1x10000xi32>
    %convert_element_type3A_18 = arith.sitofp %convert_element_type3A : vector<1x10000xi32> to vector<1x10000xf32>
    %mul3A_19 = arith.mulf %convert_element_type3A_18, %rsqrt3A : vector<1x10000xf32>
    %reduce_sum3A_20 = vector.shape_cast %mul3A_19 : vector<1x10000xf32> to vector<1x1x10000xf32>
    %reduce_sum3A_21 = arith.constant dense<0.000000e+00> : vector<1xf32>
    %reduce_sum3A_22 = vector.multi_reduction <add>, %reduce_sum3A_20, %reduce_sum3A_21 [1, 2] : vector<1x1x10000xf32> to vector<1xf32>
    %reduce_sum3A_23 = vector.shape_cast %reduce_sum3A_22 : vector<1xf32> to vector<1x1x1xf32>
    %reduce_sum3A_24 = vector.extract %reduce_sum3A_23[0, 0, 0] : f32 from vector<1x1x1xf32>
    %get3A_25 = arith.constant 0 : index
    %get3A_26 = memref.load %arg0[%get3A_25] : memref<1xi32, #tpu.memory_space<smem>>
    %get3A_27 = arith.index_cast %get3A_26 : i32 to index
    %get3A_28 = arith.constant 0 : index
    %get3A_29 = vector.load %arg4[%get3A_27, %get3A_28] : memref<10000x128xf32, #tpu.memory_space<vmem>>, vector<1x128xf32>
    %mul3A_30 = vector.broadcast %reduce_sum3A_24 : f32 to vector<1x128xf32>
    %mul3A_31 = arith.mulf %mul3A_30, %dot_general3A_14 : vector<1x128xf32>
    %mul3A_32 = arith.mulf %reduce_sum3A_24, %reduce_sum3A_24 : f32
    %mul3A_33 = vector.broadcast %mul3A_32 : f32 to vector<1x128xf32>
    %mul3A_34 = arith.mulf %mul3A_33, %get3A_29 : vector<1x128xf32>
    %add3A_35 = arith.addf %mul3A_31, %mul3A_34 : vector<1x128xf32>
    %get3A_36 = arith.constant 0 : index
    %get3A_37 = arith.constant 0 : index
    %get3A_38 = vector.load %arg5[%get3A_36, %get3A_37] : memref<128x128xf32, #tpu.memory_space<vmem>>, vector<128x128xf32>
    %dot_general3A_39 = arith.constant dense<0.000000e+00> : vector<1x128xf32>
    %dot_general3A_40 = tpu.matmul %add3A_35, %get3A_38, %dot_general3A_39 {dimension_numbers = #tpu.dot_dimension_numbers<[1], [1], [0], [0], [0, 0, 1, 0], [], []>, transpose_lhs_hint = false} : vector<1x128xf32>, vector<128x128xf32>, vector<1x128xf32> -> vector<1x128xf32>
    %get3A_41 = arith.constant 0 : index
    %get3A_42 = arith.constant 0 : index
    %get3A_43 = vector.load %arg6[%get3A_41, %get3A_42] : memref<1x128xf32, #tpu.memory_space<vmem>>, vector<1x128xf32>
    %add3A_44 = arith.addf %dot_general3A_40, %get3A_43 : vector<1x128xf32>
    %get3A_45 = arith.constant 0 : index
    %get3A_46 = arith.constant 0 : index
    %get3A_47 = vector.load %arg9[%get3A_45, %get3A_46] : memref<1x384xf32, #tpu.memory_space<vmem>>, vector<1x384xf32>
    %slice3A = vector.extract_strided_slice %get3A_47 {offsets = [0, 0], sizes = [1, 128], strides = [1, 1]} : vector<1x384xf32> to vector<1x128xf32>
    %mul3A_48 = arith.mulf %add3A_44, %slice3A : vector<1x128xf32>
    %reduce_sum3A_49 = vector.shape_cast %mul3A_48 : vector<1x128xf32> to vector<1x1x128xf32>
    %reduce_sum3A_50 = arith.constant dense<0.000000e+00> : vector<1xf32>
    %reduce_sum3A_51 = vector.multi_reduction <add>, %reduce_sum3A_49, %reduce_sum3A_50 [1, 2] : vector<1x1x128xf32> to vector<1xf32>
    %reduce_sum3A_52 = vector.shape_cast %reduce_sum3A_51 : vector<1xf32> to vector<1x1x1xf32>
    %reduce_sum3A_53 = vector.extract %reduce_sum3A_52[0, 0, 0] : f32 from vector<1x1x1xf32>
    %get3A_54 = arith.constant 0 : index
    %get3A_55 = arith.constant 0 : index
    %get3A_56 = vector.load %arg7[%get3A_54, %get3A_55] : memref<1x128xf32, #tpu.memory_space<vmem>>, vector<1x128xf32>
    %slice3A_57 = vector.extract_strided_slice %get3A_47 {offsets = [0, 128], sizes = [1, 128], strides = [1, 1]} : vector<1x384xf32> to vector<1x128xf32>
    %mul3A_58 = arith.mulf %get3A_56, %slice3A_57 : vector<1x128xf32>
    %reduce_sum3A_59 = vector.shape_cast %mul3A_58 : vector<1x128xf32> to vector<1x1x128xf32>
    %reduce_sum3A_60 = arith.constant dense<0.000000e+00> : vector<1xf32>
    %reduce_sum3A_61 = vector.multi_reduction <add>, %reduce_sum3A_59, %reduce_sum3A_60 [1, 2] : vector<1x1x128xf32> to vector<1xf32>
    %reduce_sum3A_62 = vector.shape_cast %reduce_sum3A_61 : vector<1xf32> to vector<1x1x1xf32>
    %reduce_sum3A_63 = vector.extract %reduce_sum3A_62[0, 0, 0] : f32 from vector<1x1x1xf32>
    %add3A_64 = arith.addf %reduce_sum3A_53, %reduce_sum3A_63 : f32
    %get3A_65 = arith.constant 0 : index
    %get3A_66 = arith.constant 0 : index
    %get3A_67 = vector.load %arg8[%get3A_65, %get3A_66] : memref<1x128xf32, #tpu.memory_space<vmem>>, vector<1x128xf32>
    %slice3A_68 = vector.extract_strided_slice %get3A_47 {offsets = [0, 256], sizes = [1, 128], strides = [1, 1]} : vector<1x384xf32> to vector<1x128xf32>
    %mul3A_69 = arith.mulf %get3A_67, %slice3A_68 : vector<1x128xf32>
    %reduce_sum3A_70 = vector.shape_cast %mul3A_69 : vector<1x128xf32> to vector<1x1x128xf32>
    %reduce_sum3A_71 = arith.constant dense<0.000000e+00> : vector<1xf32>
    %reduce_sum3A_72 = vector.multi_reduction <add>, %reduce_sum3A_70, %reduce_sum3A_71 [1, 2] : vector<1x1x128xf32> to vector<1xf32>
    %reduce_sum3A_73 = vector.shape_cast %reduce_sum3A_72 : vector<1xf32> to vector<1x1x1xf32>
    %reduce_sum3A_74 = vector.extract %reduce_sum3A_73[0, 0, 0] : f32 from vector<1x1x1xf32>
    %add3A_75 = arith.addf %add3A_64, %reduce_sum3A_74 : f32
    %get3A_76 = arith.constant 0 : index
    %get3A_77 = memref.load %arg1[%get3A_76] : memref<1xf32, #tpu.memory_space<smem>>
    %add3A_78 = arith.addf %add3A_75, %get3A_77 : f32
    %logistic3A = arith.negf %add3A_78 : f32
    %logistic3A_79 = math.exp %logistic3A : f32
    %logistic3A_80 = arith.constant 1.000000e+00 : f32
    %logistic3A_81 = arith.addf %logistic3A_80, %logistic3A_79 : f32
    %logistic3A_82 = arith.divf %logistic3A_80, %logistic3A_81 : f32
    %broadcast_in_dim3A_83 = vector.broadcast %logistic3A_82 : f32 to vector<1x1xf32>
    %swap3A = arith.constant 0 : index
    %swap3A_84 = arith.constant 0 : index
    %swap3A_85 = vector.load %arg10[%swap3A, %swap3A_84] : memref<1x1xf32, #tpu.memory_space<vmem>>, vector<1x1xf32>
    tpu.vector_store %arg10[%swap3A, %swap3A_84], %broadcast_in_dim3A_83 {strides = array<i32>} : memref<1x1xf32, #tpu.memory_space<vmem>>, vector<1x1xf32>,
    return
  }
}

</mosaic_0001>

<sc_bundles>
// kernel: kernel.5.cloned.1.call-start
scs
__scs_entry_jumppad:
0x0: {  	(pc) =	sbr.rel $0x88, $3  }
0x1: {  	(tag) =	ssettag $0x0;
	lr =	simm.s32 $0x1  }
0x2: {  	[smem:$0x3F96] =	sst lr;
	_ =	strace $0xD0000000  }
0x3: {  	_ = 	snop  }
0x4: {  	_ = 	snop  }
0x5: {  	_ = 	snop  }
0x6: {  	_ = 	snop  }
0x7: {  	_ = 	snop  }
__scs_overlays_trampoline_lowered:
0x8: {  	[smem:$0x3FA5] =	sst s0  }
0x9: {  	[smem:$0x3FA6] =	sst s1  }
0xa: {  	[smem:$0x3FA7] =	sst s2  }
0xb: {  	[smem:$0x3FA8] =	sst s3  }
0xc: {  	[smem:$0x3FA9] =	sst s4  }
0xd: {  	[smem:$0x3FAA] =	sst s5  }
0xe: {  	[smem:$0x3FAB] =	sst s6  }
0xf: {  	[smem:$0x3FAC] =	sst s7  }
0x10: {  	[smem:$0x3FAD] =	sst s8  }
0x11: {  	[smem:$0x3FAE] =	sst s9;
	s0 =	simm.s32 @!p0 $0x0  }
0x12: {  	s1 =	sld [smem:$0x3F94];
	s0 =	simm.s32 @p0 $0x1  }
0x13: {  	[smem:$0x3FAF] =	sst s0;
	s0 =	simm.s32 @!p1 $0x0  }
0x14: {  	s2 =	sld [smem:$0x3F93];
	s0 =	simm.s32 @p1 $0x1  }
0x15: {  	[smem:$0x3FB0] =	sst s0;
	s0 =	simm.s32 @!p2 $0x0  }
0x16: {  	s3 =	sld [smem:$0x3FDB];
	s0 =	simm.s32 @p2 $0x1  }
0x17: {  	s4 =	simm.s32 $0x1BF5;
	[smem:$0x3FB2] =	sst s0  }
0x18: {  	s0 =	sld [smem:$0x3F95];
	_ =	swait.ge [sflag:s4], $0x0  }
0x19: {  	s7 =	sld [smem:$0x3F96]  }
0x1a: {  	s8 =	sadd.s32 $0xFFFFE003, lr  }
0x1b: {  	s9 =	sadd.s32 $0xFFFFFEF7, lr;
	s5 =	simm.s32 $0xFFFFFFFF;
	p2 =	slt.u32 s8, $0xFFFFF086  }
0x1c: {  	p1 =	slt.u32 s9, $0xF7A;
	s5 =	simm.s32 @!p2 $0x0  }
0x1d: {  	s5 =	simm.s32 @p1 $0x1;
	p0 =	seq.s32 s7, s2  }
0x1e: {  	s7 =	smul.u32 @!p0 $0xF7A, s2;
	p2 =	seq.s32 @!p0 s5, $0x0  }
0x1f: {  	s9 =	smul.u32 $0xF7A, s1;
	s8 =	simm.s32 @!p0 $0x1BF5;
	p2 =	por !p2, p0  }
0x20: {  	[sflag:s8] =	ssyncset.s32 @!p0 $0xFFFFF086;
	s6 =	sadd.s32 @!p0 s3, s7;
	s7 =	simm.s32 @!p0 $0x108  }
0x21: {  	s3 =	sadd.s32 s3, s9;
	s6 =	sadd.s32 @!p0 $0x88, s6;
	s7 =	simm.s32 @p2 $0x1082  }
0x22: {  	[simem:s7], [sflag:s8] =	dma.local @!p0 [hbm:s6], $0xF7A  }
0x23: {  	s9 =	sor.u32 $0xD0000000, s2;
	s6 =	simm.s32 $0x108;
	_ =	swait.ge @!p0 [sflag:s8], $0x0  }
0x24: {  	s3 =	sadd.s32 $0x88, s3;
	s6 =	simm.s32 @!p1 $0x1082;
	[sflag:s4] =	ssyncset.s32 $0xFFFFF086  }
0x25: {  	[simem:s6], [sflag:s4] =	dma.local [hbm:s3], $0xF7A  }
0x26: {  	[smem:$0x3F96] =	sst s1;
	(tag) =	ssettag s2;
	_ =	strace s9  }
0x27: {  	s1 =	sld [smem:$0x3FA6]  }
0x28: {  	s2 =	sld [smem:$0x3FA7]  }
0x29: {  	s4 =	sld [smem:$0x3FA9]  }
0x2a: {  	p0 =	seq.s32 s5, $0x0;
	s5 =	sld [smem:$0x3FAA]  }
0x2b: {  	s6 =	sld [smem:$0x3FAB]  }
0x2c: {  	s7 =	sld [smem:$0x3FAC]  }
0x2d: {  	s3 =	simm.s32 $0x108;
	s8 =	sld [smem:$0x3FAD]  }
0x2e: {  	s3 =	simm.s32 @!p0 $0x1082;
	s9 =	sld [smem:$0x3FAE]  }
0x2f: {  	lr =	sadd.s32 s0, s3;
	s0 =	sld [smem:$0x3FA5]  }
0x30: {  	s3 =	sld [smem:$0x3FA8]  }
0x31: {  	[smem:$0x3FB1] =	sst s10  }
0x32: {  	s10 =	sld [smem:$0x3FAF];
	_ =	sdelay $0x3  }
0x33: {  	p0 =	seq.s32 s10, $0x1;
	s10 =	sld [smem:$0x3FB1];
	_ =	sdelay $0x3  }
0x34: {  	[smem:$0x3FB1] =	sst s10  }
0x35: {  	s10 =	sld [smem:$0x3FB0];
	_ =	sdelay $0x3  }
0x36: {  	p1 =	seq.s32 s10, $0x1;
	s10 =	sld [smem:$0x3FB1];
	_ =	sdelay $0x3  }
0x37: {  	[smem:$0x3FB1] =	sst s10  }
0x38: {  	s10 =	sld [smem:$0x3FB2]  }
0x39: {  	_ = 	snop;
	(pc) =	sbr.ind lr, $3  }
0x3a: {  	_ = 	snop  }
0x3b: {  	_ = 	snop  }
0x3c: {  	p2 =	seq.s32 s10, $0x1;
	s10 =	sld [smem:$0x3FB1]  }
0x3d: {  	_ =	shalt  }
0x3e: {  	_ =	shalt  }
0x3f: {  	_ =	shalt  }
0x40: {  	_ =	shalt  }
0x41: {  	_ =	shalt  }
0x42: {  	_ =	shalt  }
0x43: {  	_ =	shalt  }
0x44: {  	_ =	shalt  }
0x45: {  	_ =	shalt  }
0x46: {  	_ =	shalt  }
0x47: {  	_ =	shalt  }
0x48: {  	_ =	shalt  }
0x49: {  	_ =	shalt  }
0x4a: {  	_ =	shalt  }
0x4b: {  	_ =	shalt  }
0x4c: {  	_ =	shalt  }
0x4d: {  	_ =	shalt  }
0x4e: {  	_ =	shalt  }
0x4f: {  	_ =	shalt  }
0x50: {  	_ =	shalt  }
0x51: {  	_ =	shalt  }
0x52: {  	_ =	shalt  }
0x53: {  	_ =	shalt  }
0x54: {  	_ =	shalt  }
0x55: {  	_ =	shalt  }
0x56: {  	_ =	shalt  }
0x57: {  	_ =	shalt  }
0x58: {  	_ =	shalt  }
0x59: {  	_ =	shalt  }
0x5a: {  	_ =	shalt  }
0x5b: {  	_ =	shalt  }
0x5c: {  	_ =	shalt  }
0x5d: {  	_ =	shalt  }
0x5e: {  	_ =	shalt  }
0x5f: {  	_ =	shalt  }
0x60: {  	_ =	shalt  }
0x61: {  	_ =	shalt  }
0x62: {  	_ =	shalt  }
0x63: {  	_ =	shalt  }
0x64: {  	_ =	shalt  }
0x65: {  	_ =	shalt  }
0x66: {  	_ =	shalt  }
0x67: {  	_ =	shalt  }
0x68: {  	_ =	shalt  }
0x69: {  	_ =	shalt  }
0x6a: {  	_ =	shalt  }
0x6b: {  	_ =	shalt  }
0x6c: {  	_ =	shalt  }
0x6d: {  	_ =	shalt  }
0x6e: {  	_ =	shalt  }
0x6f: {  	_ =	shalt  }
0x70: {  	_ =	shalt  }
0x71: {  	_ =	shalt  }
0x72: {  	_ =	shalt  }
0x73: {  	_ =	shalt  }
0x74: {  	_ =	shalt  }
0x75: {  	_ =	shalt  }
0x76: {  	_ =	shalt  }
0x77: {  	_ =	shalt  }
0x78: {  	_ =	shalt  }
0x79: {  	_ =	shalt  }
0x7a: {  	_ =	shalt  }
0x7b: {  	_ =	shalt  }
0x7c: {  	_ =	shalt  }
0x7d: {  	_ =	shalt  }
0x7e: {  	_ =	shalt  }
0x7f: {  	_ =	shalt  }
0x80: {  	_ =	shalt  }
0x81: {  	_ =	shalt  }
0x82: {  	_ =	shalt  }
0x83: {  	_ =	shalt  }
0x84: {  	_ =	shalt  }
0x85: {  	_ =	shalt  }
0x86: {  	_ =	shalt  }
0x87: {  	_ =	shalt  }
.Lfunc_end0:
.L_simem_size_0:
called_computation_lowered:
.L_overlay_start_0:
0x88: {  	s2 =	sld [smem:$0x3FD9]  }
0x89: {  	s3 =	sld [smem:$0x3FFE];
	_ =	sdelay $0x1  }
0x8a: {  	s1 =	srdreg.scid  }
0x8b: {  	s0 =	sand.u32 $0x1, s1  }
0x8c: {  	s17 =	sshll.u32 s0, $0xA;
	s2 =	sadd.s32 s3, s2  }
0x8d: {  	s2 =	sadd.s32 s2, s17  }
0x8e: {  	[smem:$0x3FBD] =	sst s2  }
0x8f: {  	_ = 	snop  }
0x90: {  	s2 =	sld [smem:$0x3FD0];
	(tm) =	ssettm $0x1  }
0x91: {  	s18 =	sld [smem:$0x3FFB];
	_ =	sdelay $0x3  }
0x92: {  	_ =	strace s18  }
0x93: {  	s3 =	sld [smem:$0x3FFC];
	_ =	sdelay $0x3  }
0x94: {  	_ =	strace s3  }
0x95: {  	s3 =	sld [smem:$0x3FFD];
	_ =	sdelay $0x3  }
0x96: {  	_ =	strace s3  }
0x97: {  	_ =	strace $0x8FFFFFFF  }
0x98: {  	s19 =	sld [smem:$0x3FDB];
	_ =	sdelay $0x1  }
0x99: {  	s4 =	simm.s32 $_scs_section_size  }
0x9a: {  	s5 =	simm.s32 $_size__tile_overlayer_lowered;
	s6 =	simm.s32 $_tile_overlayer_lowered  }
0x9b: {  	s22 =	simm.s32 $0x1BFF;
	s21 =	sshll.u32 s6, $0x1;
	s3 =	sadd.s32 s4, s19  }
0x9c: {  	s7 =	simm.s32 $0x0;
	s20 =	sshll.u32 s5, $0x1;
	s5 =	sadd.s32 s21, s3  }
0x9d: {  	[timem:s7], [sflag:s22] =	dma.local [hbm:s5], s20  }
0x9e: {  	_ =	swait.ge [sflag:s22], s20  }
0x9f: {  	s4 =	ssub.s32 $0x0, s20;
	[sflag:s22] =	ssyncset.done $0x0  }
0xa0: {  	[sflag:s22] =	ssyncadd.s32 s4;
	_ =	sdelay $0x1  }
0xa1: {  	s23 =	simm.s32 $0x1B8B  }
0xa2: {  	_ =	swait.ge [sflag:s23], $0x1  }
0xa3: {  	[sflag:s23] =	ssyncset.done $0x0  }
0xa4: {  	s25 =	simm.s32 $0x1B8E;
	s24 =	sld [smem:$0x3FFE];
	[sflag:s23] =	ssyncadd.s32 $0xFFFFFFFF  }
0xa5: {  	s26 =	simm.s32 $execute0_lowered;
	[smem:$0x3FD2] =	sst s25  }
0xa6: {  	s5 =	sshll.u32 s26, $0x1;
	_ =	strace $0x80000046;
	[dreg:$0x1] =	wrdreg $0xFFFFFFFF  }
0xa7: {  	s28 =	simm.s32 $_size_execute0_lowered;
	s3 =	sadd.s32 s3, s5;
	[dreg:$0x0] =	wrdreg $0x0  }
0xa8: {  	s5 =	sshll.u32 s28, $0x1;
	[dreg:$0x2] =	wrdreg s3  }
0xa9: {  	[dreg:$0x3] =	wrdreg s5  }
0xaa: {  	[dreg:$0x4] =	wrdreg $0xC0  }
0xab: {  	_ =	task [dreg:s7], $0x5FFFF  }
0xac: {  	[dreg:$0x1] =	wrdreg $0xFFFFFFFF  }
0xad: {  	[dreg:$0x0] =	wrdreg $0x60  }
0xae: {  	[dreg:$0x2] =	wrdreg s24  }
0xaf: {  	[dreg:$0x3] =	wrdreg s2  }
0xb0: {  	[dreg:$0x4] =	wrdreg $0x9  }
0xb1: {  	_ =	task.clear_ibuf [dreg:s7], $0x5FFFF;
	_ =	strace $0x90000046  }
0xb2: {  	s29 =	simm.s32 $0x9;
	_ =	strace $0x80000048  }
0xb3: {  	_ =	swait.ge [sflag:s29], $0x1  }
0xb4: {  	[sflag:s29] =	ssyncadd.s32 $0xFFFFFFFF  }
0xb5: {  	_ =	strace $0x90000048  }
0xb6: {  	_ =	sfence  }
0xb7: {  	s30 =	sld [smem:$0x0];
	_ =	sdelay $0x2  }
0xb8: {  	s31 =	sshll.u32 s1, $0xD;
	s1 =	sshrl.u32 s1, $0x2  }
0xb9: {  	s3 =	sand.u32 $0x4000, s31;
	s1 =	sadd.s32 s1, s30  }
0xba: {  	s0 =	sor.u32 s3, s0;
	s1 =	sshll.u32 s1, $0x11  }
0xbb: {  	s0 =	sor.u32 s1, s0  }
0xbc: {  	s0 =	sadd.s32 $0x8F2B, s0  }
0xbd: {  	[sflag:s0] =	ssyncadd.remote.s32 $0x1  }
0xbe: {  	_ =	sfence.sel $0xFFFF  }
0xbf: {  	[dreg:$0x0] =	wrdreg $0xFFFFFFFF;
	(pc) =	sbr.abs _section_cstart, $3  }
0xc0: {  	[dreg:$0x1] =	wrdreg $0xFFFFFFFF  }
0xc1: {  	_ =	task.clear_ibuf [dreg:s7], $0x2FFFF;
	_ =	strace $0x9FFFFFFF  }
0xc2: {  	(tm) =	ssettm $0x7FFFFFFF  }
0xc3: {  	_ =	shalt  }
tec
execute0_lowered:
.L_overlay_start_1:
0x0: {  	(tag) =	ssettag $0x1  }
0x1: {  	s1 =	srdreg.scid  }
0x2: {  	s0 =	stileid.u32;
	s6 =	rddreg [dreg:$0x0]  }
0x3: {  	s2 =	rddreg [dreg:$0x1];
	s3 =	simm.s32 $0x0;
	s12 =	simm.s32 $0xC580  }
0x4: {  	s13 =	simm.s32 $0xC600;
	s14 =	simm.s32 $0xC680;
	s15 =	simm.s32 $0x2780  }
0x5: {  	s16 =	simm.s32 $0x4F00;
	s17 =	simm.s32 $0x1;
	s18 =	simm.s32 $0x7680  }
0x6: {  	s19 =	simm.s32 $0x9E00;
	s20 =	simm.s32 $0x80;
	s21 =	simm.s32 $0x400  }
0x7: {  	s22 =	simm.s32 $0x0;
	s5 =	sand.u32 $0x1, s1;
	s1 =	rddreg [dreg:$0x2]  }
0x8: {  	s28 =	sshll.u32 s0, $0x1;
	s8 =	sshrl.u32 s0, $0x2;
	[smem:$0x7FF] =	sst s3  }
0x9: {  	s4 =	sor.u32 s5, s28;
	s8 =	smul.u32 $0x13C00, s8;
	_ =	strace $0x80000047  }
0xa: {  	s30 =	ssub.s32 $0x2, s5;
	s7 =	smul.u32 $0x4E2, s4;
	s4 =	sshll.u32 s4, $0x7  }
0xb: {  	s5 =	sadd.s32 $0x2200, s6;
	s31 =	sshrl.u32 s30, $0x1;
	s4 =	sand.u32 $0x380, s4  }
0xc: {  	s11 =	ssub.s32 s30, s31;
	s9 =	sadd.s32 s7, s6;
	s29 =	sor.u32 s8, s4  }
0xd: {  	s4 =	sadd.s32 $0x2000, s6;
	s11 =	smax.u32 s11, $0x1;
	s7 =	sshrl.u32 s29, $0x3  }
0xe: {  	s8 =	sadd.s32 $0xC200, s9;
	s10 =	sadd.s32 s7, s6;
	s6 =	sadd.s32 $0x2400, s9  }
0xf: {  	v0 =	vimm.f32 $0.0e+00;
	s7 =	sadd.s32 $0x16000, s9;
	s9 =	sadd.s32 $0x1FE00, s10;
	s10 =	sadd.s32 $0x29C00, s10  }
.LBB2_1:
0x10: {  	[tilespmem:s12], [sflag:$0x1] =	stream.linear.gather [hbm4b:s2+s3], $0x10, $0x38;
	[tilespmem:$0xC700] =	vst v63  }
0x11: {  	_ = 	snop  }
0x12: {  	[tilespmem:s13], [sflag:$0x1] =	stream.linear.gather [hbm4b:s4+s3], $0x10, $0x38;
	[tilespmem:$0xC700] =	vst v63  }
0x13: {  	_ = 	snop  }
0x14: {  	[tilespmem:s14], [sflag:$0x1] =	stream.linear.gather [hbm4b:s5+s3], $0x10, $0x38;
	[tilespmem:$0xC700] =	vst v63  }
0x15: {  	_ = 	snop  }
0x16: {  	[tilespmem:s3], [sflag:$0x1] =	stream.linear.gather [hbm4b:s6+s3], $0x2710, $0x38;
	[tilespmem:$0xC700] =	vst v63  }
0x17: {  	_ = 	snop  }
0x18: {  	[tilespmem:s15], [sflag:$0x1] =	stream.linear.gather [hbm4b:s7+s3], $0x2710, $0x38;
	[tilespmem:$0xC700] =	vst v63  }
0x19: {  	s24 =	simm.s32 $0x76A0  }
0x1a: {  	[tilespmem:s16], [sflag:$0x1] =	stream.linear.gather [hbm4b:s8+s3], $0x2710, $0x38;
	[tilespmem:$0xC700] =	vst v63  }
0x1b: {  	[tilespmem:s24+$0xFFFFFFF0] =	vst v0  }
0x1c: {  	[tilespmem:s24+$0x0] =	vst v0  }
0x1d: {  	[tilespmem:s24+$0x10] =	vst v0  }
0x1e: {  	s23 =	simm.s32 $0x9E20;
	[tilespmem:s24+$0xFFFFFFE0] =	vst v0  }
0x1f: {  	[tilespmem:s23+$0xFFFFFFF0] =	vst v0  }
0x20: {  	[tilespmem:s23+$0x0] =	vst v0  }
0x21: {  	[tilespmem:s23+$0x10] =	vst v0  }
0x22: {  	s25 =	simm.s32 $0x76E0;
	s24 =	simm.s32 $0x0;
	[tilespmem:s23+$0xFFFFFFE0] =	vst v0  }
.LBB2_2:
0x23: {  	[tilespmem:s25+$0xFFFFFFF0] =	vst v0;
	s23 =	sadd.s32 $0x40, s23  }
0x24: {  	s24 =	sadd.s32 $0x4, s24;
	[tilespmem:s23+$0xFFFFFFF0] =	vst v0  }
0x25: {  	p0 =	slt.u32 s24, $0x26C;
	[tilespmem:s25+$0x0] =	vst v0  }
.Ltmp0:
0x26: {  	[tilespmem:s23+$0x0] =	vst v0;
	(pc) =	sbr.rel @p0 .LBB2_2-.Ltmp0, $4  }
0x27: {  	[tilespmem:s25+$0x10] =	vst v0  }
0x28: {  	[tilespmem:s23+$0x10] =	vst v0  }
0x29: {  	[tilespmem:s25+$0xFFFFFFE0] =	vst v0  }
0x2a: {  	s25 =	sadd.s32 $0x40, s25;
	[tilespmem:s23+$0xFFFFFFE0] =	vst v0  }
0x2b: {  	[tilespmem:$0x9D80] =	vst v0  }
0x2c: {  	[tilespmem:$0xC500] =	vst v0  }
0x2d: {  	_ =	swait.ge [sflag:s17], $0x10  }
0x2e: {  	[sflag:s17] =	ssyncset.done $0x0  }
0x2f: {  	[sflag:s17] =	ssyncadd.s32 $0xFFFFFFF0  }
0x30: {  	_ =	swait.ge [sflag:s17], $0x10  }
0x31: {  	[sflag:s17] =	ssyncset.done $0x0  }
0x32: {  	[sflag:s17] =	ssyncadd.s32 $0xFFFFFFF0  }
0x33: {  	_ =	swait.ge [sflag:s17], $0x10  }
0x34: {  	[sflag:s17] =	ssyncset.done $0x0  }
0x35: {  	[sflag:s17] =	ssyncadd.s32 $0xFFFFFFF0  }
0x36: {  	_ =	swait.ge [sflag:s17], $0x2710  }
0x37: {  	[sflag:s17] =	ssyncset.done $0x0  }
0x38: {  	[sflag:s17] =	ssyncadd.s32 $0xFFFFD8F0  }
0x39: {  	_ =	swait.ge [sflag:s17], $0x2710  }
0x3a: {  	[sflag:s17] =	ssyncset.done $0x0  }
0x3b: {  	[sflag:s17] =	ssyncadd.s32 $0xFFFFD8F0  }
0x3c: {  	_ =	swait.ge [sflag:s17], $0x2710  }
0x3d: {  	[sflag:s17] =	ssyncset.done $0x0  }
0x3e: {  	[sflag:s17] =	ssyncadd.s32 $0xFFFFD8F0  }
0x3f: {  	v1 =	vld [tilespmem:$0xC580]  }
0x40: {  	s23 =	simm.s32 $0x20;
	v3 =	vld [tilespmem:$0xC600]  }
0x41: {  	v2 =	vld [tilespmem:s23+$0x10];
	_ =	sdelay $0x2  }
0x42: {  	v4 =	vld [tilespmem:s23+$0xFFFFFFF0]  }
0x43: {  	(erf) = vrcp.f32 v3;
	v3 =	vld [tilespmem:s23+$0x0]  }
0x44: {  	v5 =	vld [tilespmem:s23+$0xFFFFFFE0];
	v2 =	vsub.f32 v2, v1;
	_ =	sdelay $0x1  }
0x45: {  	v2 =	vmul.f32 $1.442695020e+00, v2  }
0x46: {  	v4 =	vsub.f32 v4, v1  }
0x47: {  	s23 =	simm.s32 $0x27A0;
	(erf) = vpow2.f32 v2;
	v3 =	vsub.f32 v3, v1  }
0x48: {  	v5 =	vsub.f32 v5, v1;
	v8 =	vld [tilespmem:s23+$0x10];
	v7 =	vmul.f32 $1.442695020e+00, v4  }
0x49: {  	s24 =	simm.s32 $0x4F20;
	v2 =	vld [tilespmem:$0xC680];
	v9 =	vmul.f32 $1.442695020e+00, v3  }
0x4a: {  	v10 =	vld [tilespmem:s24+$0x10];
	v11 =	vmul.f32 $1.442695020e+00, v5;
	(erf) = vpow2.f32 v7  }
0x4b: {  	v6 =	vld [tilespmem:s23+$0xFFFFFFE0];
	v3 =	vpop (erf);
	(erf) = vpow2.f32 v9  }
0x4c: {  	v4 =	vld [tilespmem:s23+$0xFFFFFFF0];
	(erf) = vpow2.f32 v11  }
0x4d: {  	v5 =	vld [tilespmem:s23+$0x0]  }
0x4e: {  	vm3 =	veq.s32 v8, v2  }
0x4f: {  	v7 =	vld [tilespmem:s24+$0xFFFFFFF0]  }
0x50: {  	v11 =	vld [tilespmem:s24+$0x0];
	v12 =	vpop (erf)  }
0x51: {  	s25 =	simm.s32 $0x0;
	s26 =	simm.s32 $0x60;
	v9 =	vld [tilespmem:s24+$0xFFFFFFE0];
	vm2 =	veq.s32 v6, v2;
	vm1 =	veq.s32 v4, v2;
	v12 =	vmul.f32 v12, v3  }
.LBB2_4:
0x52: {  	v13 =	vld [tilespmem:s26+$0x10];
	vm0 =	veq.s32 v5, v2  }
0x53: {  	s25 =	sadd.s32 $0x4, s25;
	[tilespmem:v8+s18+$0x0] =	vst.idx.add.f32.msk $0xffff, v12;
	v8 =	vpop (erf)  }
0x54: {  	p0 =	slt.u32 s25, $0x26C;
	v8 =	vmul.f32 v8, v3;
	[tilespmem:v10+s19+$0x0] =	vst.idx.add.f32.msk vm3, v12;
	v10 =	vpop (erf)  }
0x55: {  	v12 =	vld [tilespmem:s26+$0xFFFFFFF0];
	v14 =	vmul.f32 v10, v3;
	v10 =	vpop (erf);
	v15 =	vmov v11  }
0x56: {  	v11 =	vld [tilespmem:s26+$0x0];
	v10 =	vmul.f32 v10, v3  }
0x57: {  	v16 =	vld [tilespmem:s26+$0xFFFFFFE0];
	v13 =	vsub.f32 v13, v1  }
0x58: {  	[tilespmem:v6+s18+$0x0] =	vst.idx.add.f32.msk $0xffff, v10  }
0x59: {  	v6 =	vmul.f32 $1.442695020e+00, v13;
	[tilespmem:v9+s19+$0x0] =	vst.idx.add.f32.msk vm2, v10  }
0x5a: {  	v9 =	vsub.f32 v12, v1;
	[tilespmem:v4+s18+$0x0] =	vst.idx.add.f32.msk $0xffff, v8  }
0x5b: {  	v4 =	vsub.f32 v11, v1;
	(erf) = vpow2.f32 v6;
	[tilespmem:v7+s19+$0x0] =	vst.idx.add.f32.msk vm1, v8  }
0x5c: {  	s23 =	sadd.s32 $0x40, s23;
	v6 =	vsub.f32 v16, v1;
	v7 =	vmul.f32 $1.442695020e+00, v9;
	[tilespmem:v5+s18+$0x0] =	vst.idx.add.f32.msk $0xffff, v14  }
0x5d: {  	v5 =	vmul.f32 $1.442695020e+00, v4;
	v8 =	vld [tilespmem:s23+$0x10]  }
0x5e: {  	v9 =	vmul.f32 $1.442695020e+00, v6;
	v6 =	vld [tilespmem:s23+$0xFFFFFFE0];
	(erf) = vpow2.f32 v7  }
0x5f: {  	s24 =	sadd.s32 $0x40, s24;
	v4 =	vld [tilespmem:s23+$0xFFFFFFF0];
	(erf) = vpow2.f32 v5  }
0x60: {  	v10 =	vld [tilespmem:s24+$0x10];
	(erf) = vpow2.f32 v9  }
.Ltmp1:
0x61: {  	v5 =	vld [tilespmem:s23+$0x0];
	(pc) =	sbr.rel @p0 .LBB2_4-.Ltmp1, $4  }
0x62: {  	v9 =	vld [tilespmem:s24+$0xFFFFFFE0];
	vm3 =	veq.s32 v8, v2  }
0x63: {  	vm2 =	veq.s32 v6, v2;
	v7 =	vld [tilespmem:s24+$0xFFFFFFF0]  }
0x64: {  	vm1 =	veq.s32 v4, v2;
	v11 =	vld [tilespmem:s24+$0x0];
	v12 =	vpop (erf)  }
0x65: {  	s26 =	sadd.s32 $0x40, s26;
	v12 =	vmul.f32 v12, v3;
	[tilespmem:v15+s19+$0x0] =	vst.idx.add.f32.msk vm0, v14  }
0x66: {  	_ =	sdelay $0x2  }
0x67: {  	v13 =	vpop (erf)  }
0x68: {  	vm0 =	veq.s32 v5, v2;
	[tilespmem:v8+s18+$0x0] =	vst.idx.add.f32.msk $0xffff, v12;
	v61 =	vmul.f32 v13, v3  }
0x69: {  	v14 =	vpop (erf);
	[tilespmem:v10+s19+$0x0] =	vst.idx.add.f32.msk vm3, v12  }
0x6a: {  	v15 =	vpop (erf);
	v62 =	vmul.f32 v14, v3;
	[tilespmem:v4+s18+$0x0] =	vst.idx.add.f32.msk $0xffff, v61  }
0x6b: {  	v60 =	vmul.f32 v15, v3;
	[tilespmem:v7+s19+$0x0] =	vst.idx.add.f32.msk vm1, v61  }
0x6c: {  	[tilespmem:v5+s18+$0x0] =	vst.idx.add.f32.msk $0xffff, v62  }
0x6d: {  	[tilespmem:v6+s18+$0x0] =	vst.idx.add.f32.msk $0xffff, v60  }
0x6e: {  	[tilespmem:v11+s19+$0x0] =	vst.idx.add.f32.msk vm0, v62  }
0x6f: {  	[tilespmem:v9+s19+$0x0] =	vst.idx.add.f32.msk vm2, v60  }
0x70: {  	v4 =	vld [tilespmem:$0x2700];
	_ =	sdelay $0x4  }
0x71: {  	v1 =	vsub.f32 v4, v1;
	_ =	sdelay $0x1  }
0x72: {  	v1 =	vmul.f32 $1.442695020e+00, v1;
	_ =	sdelay $0x1  }
0x73: {  	(erf) = vpow2.f32 v1;
	_ =	sdelay $0x1  }
0x74: {  	v1 =	vld [tilespmem:$0x4E80];
	_ =	sdelay $0x2  }
0x75: {  	v63 =	vld [tilespmem:$0x7600];
	_ =	sdelay $0x1  }
0x76: {  	vm15 =	veq.s32 v1, v2;
	_ =	sdelay $0x1  }
0x77: {  	v2 =	vpop (erf)  }
0x78: {  	v2 =	vmul.f32 v2, v3;
	_ =	sdelay $0x1  }
0x79: {  	[tilespmem:v1+s18+$0x0] =	vst.idx.add.f32.msk $0xffff, v2  }
0x7a: {  	[tilespmem:v63+s19+$0x0] =	vst.idx.add.f32.msk vm15, v2  }
0x7b: {  	[hbm4b:s9+s20] =	stream.strided.scatter [tilespmem:s18], [sflag:$0x1], $0x2780, s21, s20, $0x38;
	[tilespmem:$0xC700] =	vst v63  }
0x7c: {  	s22 =	sadd.s32 $0x1, s22  }
0x7d: {  	[hbm4b:s10+s20] =	stream.strided.scatter [tilespmem:s19], [sflag:$0x1], $0x2780, s21, s20, $0x38;
	[tilespmem:$0xC700] =	vst v63  }
0x7e: {  	p0 =	sne.s32 s22, s11;
	_ =	swait.ge [sflag:s17], $0x2780  }
.Ltmp2:
0x7f: {  	[sflag:s17] =	ssyncset.done $0x0;
	(pc) =	sbr.rel @p0 .LBB2_1-.Ltmp2, $4  }
0x80: {  	[sflag:s17] =	ssyncadd.s32 $0xFFFFD880  }
0x81: {  	_ =	swait.ge [sflag:s17], $0x2780  }
0x82: {  	[sflag:s17] =	ssyncset.done $0x0  }
0x83: {  	[sflag:s17] =	ssyncadd.s32 $0xFFFFD880  }
0x84: {  	_ =	sfence.sel $0x180000  }
0x85: {  	[bflag:$0x0] =	sbarrier.arrive $0xFFFF  }
0x86: {  	p0 =	sne.s32 s0, $0x0;
	_ =	strace $0x90000047  }
0x87: {  	s0 =	sadd.s32 @!p0 $0x100000, s1;
	[bflag:$0x2] =	sbarrier.arrive $0xFFFF  }
0x88: {  	[sflag:s0] =	ssyncadd.tile.s32 @!p0 $0x1;
	_ =	shalt  }
.Lfunc_end2:
_tile_overlayer_lowered:
.L_overlay_start_2:
0x89: {  	(tag) =	ssettag $0x2  }
0x8a: {  	s0 =	rddreg [dreg:$0x0];
	s2 =	stileid.u32  }
0x8b: {  	s1 =	rddreg [dreg:$0x1];
	p0 =	sne.s32 s2, $0x0  }
0x8c: {  	s3 =	rddreg [dreg:$0x2];
	[bflag:$0x3] =	sbarrier.arrive $0xFFFF;
	s2 =	simm.s32 @!p0 $0x1C02  }
0x8d: {  	[timem:s3], [sflag:s2] =	dma.local @!p0 [hbm:s0], s1  }
0x8e: {  	s0 =	simm.s32 @!p0 $0x2  }
0x8f: {  	_ =	swait.ge @!p0 [sflag:s0], s1  }
0x90: {  	s1 =	ssub.s32 @!p0 $0x0, s1;
	[sflag:s0] =	ssyncset.done @!p0 $0x0  }
0x91: {  	[sflag:s0] =	ssyncadd.s32 @!p0 s1  }
0x92: {  	[bflag:$0x3] =	sbarrier.arrive $0xFFFF  }
0x93: {  	_ =	shalt  }

</sc_bundles>
